<compile_context>
chip_gen: v7x
topology: tpu7x:2x2x1
jax: 0.10.2.dev20260603
libtpu: 0.0.44.dev20260713+nightly
codegen_flags: <defaults>
</compile_context>

<pallas_src>
import functools

import jax
import jax.numpy as jnp
from jax import lax
from jax.experimental import pallas as pl
from jax.experimental.pallas import tpu as pltpu
from jax.experimental.pallas import tpu_sc as plsc

_B = 1024
_WALK = 50
_NEG = 20
_D = 16
_NTOT = _B * (1 + _WALK + _NEG)
_NW = 32
_PER_W = 2304
_NPAD = _NW * _PER_W
_ROW_S = 1 << 20


_PER_E = _D * _NPAD // _NW
_CHUNK_E = 9216
_NCHUNK_E = _PER_E // _CHUNK_E


def _sc_gather(flat_t, eidx):
    mesh = plsc.VectorSubcoreMesh(core_axis_name="c", subcore_axis_name="s")

    @functools.partial(
        pl.kernel,
        mesh=mesh,
        out_type=jax.ShapeDtypeStruct((_D * _NPAD,), jnp.float32),
        scratch_types=[
            pltpu.VMEM((_PER_E,), jnp.int32),
            pltpu.VMEM((_PER_E,), jnp.float32),
            pltpu.SemaphoreType.DMA,
        ],
        compiler_params=pltpu.CompilerParams(use_tc_tiling_on_sc=False),
    )
    def k(tab_hbm, eidx_hbm, out_hbm, idx_v, vals_v, sem):
        nc = 2
        wid = lax.axis_index("s") * nc + lax.axis_index("c")
        base = wid * _PER_E
        pltpu.sync_copy(eidx_hbm.at[pl.ds(base, _PER_E)], idx_v)
        copies = []
        for c in range(_NCHUNK_E):
            copies.append(
                pltpu.async_copy(
                    tab_hbm.at[idx_v.at[pl.ds(c * _CHUNK_E, _CHUNK_E)]],
                    vals_v.at[pl.ds(c * _CHUNK_E, _CHUNK_E)],
                    sem,
                )
            )
        for cp in copies:
            cp.wait()
        pltpu.sync_copy(vals_v, out_hbm.at[pl.ds(base, _PER_E)])

    return k(flat_t, eidx)


_DT_C = 65536
_DT_NC = (1000000 + _DT_C - 1) // _DT_C


_EIDX_R = _NPAD // 128


def _detile_body(src_ref, idx_ref, dst_ref, eidx_ref, sem):
    c = pl.program_id(0)
    copies = []
    for d in range(_D):
        copies.append(
            pltpu.async_copy(
                src_ref.at[d],
                dst_ref.at[pl.ds(d * _ROW_S + c * _DT_C, _DT_C)],
                sem,
            )
        )
    eidx_ref[...] = idx_ref[...] + c * _ROW_S
    for cp in copies:
        cp.wait()


def _detile(table, idx2):
    tab_t = jnp.transpose(table)
    return pl.pallas_call(
        _detile_body,
        grid=(_DT_NC,),
        in_specs=[
            pl.BlockSpec((_D, _DT_C), lambda c: (0, c)),
            pl.BlockSpec((_EIDX_R, 128), lambda c: (0, 0)),
        ],
        out_specs=(
            pl.BlockSpec(memory_space=pltpu.MemorySpace.HBM),
            pl.BlockSpec((_EIDX_R, 128), lambda c: (c, 0)),
        ),
        out_shape=(
            jax.ShapeDtypeStruct((_D * _ROW_S,), jnp.float32),
            jax.ShapeDtypeStruct((_D * _EIDX_R, 128), jnp.int32),
        ),
        scratch_shapes=[pltpu.SemaphoreType.DMA],
    )(tab_t, idx2)


def _clip_scale(ss):
    return jnp.minimum(1.0, lax.rsqrt(jnp.maximum(ss, 1e-24)))


def _stats_body(nt_ref, wt_ref, gt_ref, net_ref, loss_ref):
    nt = nt_ref[...]
    ssn = jnp.sum(nt * nt, axis=0, keepdims=True)
    net = nt * _clip_scale(ssn)
    net_ref[...] = net

    wt = wt_ref[...]
    ssw = jnp.sum(wt * wt, axis=0, keepdims=True)
    cw = wt * _clip_scale(ssw)
    cwsum = cw[:, :_B]
    for w in range(1, _WALK):
        cwsum = cwsum + cw[:, w * _B:(w + 1) * _B]
    wsum_total = jnp.sum(net * cwsum)

    gt = gt_ref[...]
    ssg = jnp.sum(gt * gt, axis=0, keepdims=True)
    cg = gt * _clip_scale(ssg)
    nsum = jnp.zeros((1, _B), jnp.float32)
    for n in range(_NEG):
        s_n = jnp.sum(cg[:, n * _B:(n + 1) * _B] * net, axis=0, keepdims=True)
        nsum = nsum + jnp.exp(s_n)
    loss_ref[0, 0] = jnp.sum(jnp.log(nsum)) - wsum_total


def _edge_body(nei_ref, net_ref, out_ref):
    out_ref[...] = nei_ref[...][:, :, None] * net_ref[...][None, :, :]


def kernel(nodes, walks, neg_samples, node_embedding_var):
    idx_all = jnp.concatenate(
        [nodes, jnp.transpose(walks).reshape(-1),
         jnp.transpose(neg_samples).reshape(-1),
         jnp.zeros((_NPAD - _NTOT,), jnp.int32)]
    )
    idx2 = idx_all.reshape(_EIDX_R, 128)
    flat_t, eidx2 = _detile(node_embedding_var, idx2)
    eidx = eidx2.reshape(-1)
    gathered = _sc_gather(flat_t, eidx)
    g2 = gathered.reshape(_D, _NPAD)
    nt = g2[:, :_B]
    wt = g2[:, _B:_B * (1 + _WALK)]
    gt = g2[:, _B * (1 + _WALK):_NTOT]

    net, loss = pl.pallas_call(
        _stats_body,
        out_shape=(
            jax.ShapeDtypeStruct((_D, _B), jnp.float32),
            jax.ShapeDtypeStruct((1, 1), jnp.float32),
        ),
        out_specs=(
            pl.BlockSpec(memory_space=pltpu.VMEM),
            pl.BlockSpec(memory_space=pltpu.SMEM),
        ),
    )(nt, wt, gt)

    ne = jnp.transpose(net)
    edge_t = pl.pallas_call(
        _edge_body,
        grid=(16,),
        in_specs=[
            pl.BlockSpec((64, _D), lambda i: (i, 0)),
            pl.BlockSpec((_D, _B), lambda i: (0, 0)),
        ],
        out_specs=pl.BlockSpec((64, _D, _B), lambda i: (i, 0, 0)),
        out_shape=jax.ShapeDtypeStruct((_B, _D, _B), jnp.float32),
    )(ne, net)
    edge = jnp.transpose(edge_t, (0, 2, 1))
    return loss[0, 0], ne, edge

# --- scband reference (transcript-rebuilt; emitter-appended) ---
"""Pipeline reference for scband-embedding-model-86036784873677 (READ-ONLY COPY).

The authoritative reference and input builder live on the scoring server;
editing this copy changes nothing except your own understanding.
"""

import jax, jax.numpy as jnp
import numpy as np

NUM_NODES = 1000000
EMBED = 16
B = 1024
WALK = 50
NEG = 20


def _clip_max_norm(e, max_norm=1.0):
    # Emulates tf.nn.embedding_lookup(..., max_norm=1.0): rescale rows whose
    # L2 norm exceeds max_norm down to max_norm.
    n = jnp.sqrt(jnp.sum(e * e, axis=-1, keepdims=True))
    scale = jnp.minimum(1.0, max_norm / jnp.maximum(n, 1e-12))
    return e * scale


def setup_inputs(seed: int = 0) -> dict:
    key = jax.random.key(seed)
    k1, k2, k3, k4 = jax.random.split(key, 4)
    nodes = jax.random.randint(k1, (B,), 0, NUM_NODES, dtype=jnp.int32)
    walks = jax.random.randint(k2, (B, WALK), 0, NUM_NODES, dtype=jnp.int32)
    neg_samples = jax.random.randint(k3, (B, NEG), 0, NUM_NODES, dtype=jnp.int32)
    node_embedding_var = jax.random.normal(k4, (NUM_NODES, EMBED), dtype=jnp.float32)
    return {
        "nodes": nodes,
        "walks": walks,
        "neg_samples": neg_samples,
        "node_embedding_var": node_embedding_var,
    }


def reference(nodes, walks, neg_samples, node_embedding_var):
    node_embeddings = _clip_max_norm(jnp.take(node_embedding_var, nodes, axis=0))
    walk_embeddings = _clip_max_norm(jnp.take(node_embedding_var, walks, axis=0))
    neg_sample_embeddings = _clip_max_norm(jnp.take(node_embedding_var, neg_samples, axis=0))

    node_expanded = node_embeddings[:, None, :]  # [B, 1, d]
    walk_multiply = node_expanded * walk_embeddings  # [B, WALK, d]
    neighborhood_sum = jnp.sum(walk_multiply, axis=(1, 2))  # [B]

    neg_sample_similarity = jnp.sum(node_expanded * neg_sample_embeddings, axis=2)  # [B, NEG]
    neg_sample_sum = jnp.sum(jnp.exp(neg_sample_similarity), axis=1)  # [B]

    edge_embeddings = node_expanded * jnp.transpose(node_expanded, (1, 0, 2))  # [B, B, d]

    loss = jnp.sum(jnp.log(neg_sample_sum) - neighborhood_sum)
    return loss, node_embeddings, edge_embeddings

if __name__ == "__main__":
    import jax
    _d = setup_inputs()
    print(jax.jit(kernel)(*tuple(_d.values())))

</pallas_src>

<mosaic_0001>
#map = affine_map<(d0, d1) -> (0)>
module attributes {stable_mosaic.version = 14 : i64} {
  func.func @k(%arg0: i32, %arg1: i32, %arg2: memref<16777216xf32, #tpu.memory_space<hbm>>, %arg3: memref<1179648xi32, #tpu.memory_space<hbm>>, %arg4: memref<1179648xf32, #tpu.memory_space<hbm>>, %arg5: memref<36864xi32, #tpu.memory_space<vmem>>, %arg6: memref<36864xf32, #tpu.memory_space<vmem>>, %arg7: memref<!tpu.dma_semaphore, #tpu.memory_space<semaphore_mem>>) attributes {dimension_semantics = [#tpu.dimension_semantics<core_parallel>, #tpu.dimension_semantics<subcore_parallel>], iteration_bounds = array<i64: 2, 16>, scalar_prefetch = 0 : i64, scratch_operands = 3 : i64, tpu.core_type = #tpu.core_type<sc_vector_subcore>, window_params = [{transform_indices = #map}, {transform_indices = #map}, {transform_indices = #map}]} {
    %mul3A = arith.constant 2 : i32
    %mul3A_0 = arith.muli %arg1, %mul3A : i32
    %add3A = arith.addi %mul3A_0, %arg0 : i32
    %mul3A_1 = arith.constant 36864 : i32
    %mul3A_2 = arith.muli %add3A, %mul3A_1 : i32
    "tpu.region"() ({
      %run_scoped3A = tpu.sem_alloc : memref<!tpu.dma_semaphore, #tpu.memory_space<semaphore_mem>>
      %dma_start3A_49 = tpu.memref_slice %arg3[%mul3A_2] : memref<1179648xi32, #tpu.memory_space<hbm>> -> memref<36864xi32, #tpu.memory_space<hbm>>
      %dma_start3A_50 = tpu.memref_slice %arg3[%mul3A_2] : memref<1179648xi32, #tpu.memory_space<hbm>> -> memref<36864xi32, #tpu.memory_space<hbm>>
      tpu.enqueue_dma source(%dma_start3A_50 : memref<36864xi32, #tpu.memory_space<hbm>>) target(%arg5 : memref<36864xi32, #tpu.memory_space<vmem>>) target_semaphore(%run_scoped3A : memref<!tpu.dma_semaphore, #tpu.memory_space<semaphore_mem>>)
      %dma_wait3A_51 = tpu.memref_slice %arg3[%mul3A_2] : memref<1179648xi32, #tpu.memory_space<hbm>> -> memref<36864xi32, #tpu.memory_space<hbm>>
      %dma_wait3A_52 = tpu.memref_slice %arg3[%mul3A_2] : memref<1179648xi32, #tpu.memory_space<hbm>> -> memref<36864xi32, #tpu.memory_space<hbm>>
      tpu.wait_dma2 semaphore(%run_scoped3A : memref<!tpu.dma_semaphore, #tpu.memory_space<semaphore_mem>>) src(%dma_wait3A_52 : memref<36864xi32, #tpu.memory_space<hbm>>) dst(%arg5 : memref<36864xi32, #tpu.memory_space<vmem>>)
      tpu.yield
    }) : () -> ()
    %dma_start3A = arith.constant 0 : i32
    %dma_start3A_3 = tpu.memref_slice %arg6[%dma_start3A] : memref<36864xf32, #tpu.memory_space<vmem>> -> memref<9216xf32, #tpu.memory_space<vmem>>
    %dma_start3A_4 = arith.constant 0 : i32
    %dma_start3A_5 = tpu.memref_slice %arg5[%dma_start3A_4] : memref<36864xi32, #tpu.memory_space<vmem>> -> memref<9216xi32, #tpu.memory_space<vmem>>
    %dma_start3A_6 = arith.constant 0 : i32
    %dma_start3A_7 = tpu.memref_slice %arg2[%dma_start3A_6] : memref<16777216xf32, #tpu.memory_space<hbm>> -> memref<16777216xf32, #tpu.memory_space<hbm>>
    tpu.enqueue_indirect_dma source(%dma_start3A_7 : memref<16777216xf32, #tpu.memory_space<hbm>>) target(%dma_start3A_3 : memref<9216xf32, #tpu.memory_space<vmem>>) offsets(%dma_start3A_5 : memref<9216xi32, #tpu.memory_space<vmem>>) semaphore(%arg7 : memref<!tpu.dma_semaphore, #tpu.memory_space<semaphore_mem>>)
    %dma_start3A_8 = arith.constant 9216 : i32
    %dma_start3A_9 = tpu.memref_slice %arg6[%dma_start3A_8] : memref<36864xf32, #tpu.memory_space<vmem>> -> memref<9216xf32, #tpu.memory_space<vmem>>
    %dma_start3A_10 = arith.constant 9216 : i32
    %dma_start3A_11 = tpu.memref_slice %arg5[%dma_start3A_10] : memref<36864xi32, #tpu.memory_space<vmem>> -> memref<9216xi32, #tpu.memory_space<vmem>>
    %dma_start3A_12 = arith.constant 0 : i32
    %dma_start3A_13 = tpu.memref_slice %arg2[%dma_start3A_12] : memref<16777216xf32, #tpu.memory_space<hbm>> -> memref<16777216xf32, #tpu.memory_space<hbm>>
    tpu.enqueue_indirect_dma source(%dma_start3A_13 : memref<16777216xf32, #tpu.memory_space<hbm>>) target(%dma_start3A_9 : memref<9216xf32, #tpu.memory_space<vmem>>) offsets(%dma_start3A_11 : memref<9216xi32, #tpu.memory_space<vmem>>) semaphore(%arg7 : memref<!tpu.dma_semaphore, #tpu.memory_space<semaphore_mem>>)
    %dma_start3A_14 = arith.constant 18432 : i32
    %dma_start3A_15 = tpu.memref_slice %arg6[%dma_start3A_14] : memref<36864xf32, #tpu.memory_space<vmem>> -> memref<9216xf32, #tpu.memory_space<vmem>>
    %dma_start3A_16 = arith.constant 18432 : i32
    %dma_start3A_17 = tpu.memref_slice %arg5[%dma_start3A_16] : memref<36864xi32, #tpu.memory_space<vmem>> -> memref<9216xi32, #tpu.memory_space<vmem>>
    %dma_start3A_18 = arith.constant 0 : i32
    %dma_start3A_19 = tpu.memref_slice %arg2[%dma_start3A_18] : memref<16777216xf32, #tpu.memory_space<hbm>> -> memref<16777216xf32, #tpu.memory_space<hbm>>
    tpu.enqueue_indirect_dma source(%dma_start3A_19 : memref<16777216xf32, #tpu.memory_space<hbm>>) target(%dma_start3A_15 : memref<9216xf32, #tpu.memory_space<vmem>>) offsets(%dma_start3A_17 : memref<9216xi32, #tpu.memory_space<vmem>>) semaphore(%arg7 : memref<!tpu.dma_semaphore, #tpu.memory_space<semaphore_mem>>)
    %dma_start3A_20 = arith.constant 27648 : i32
    %dma_start3A_21 = tpu.memref_slice %arg6[%dma_start3A_20] : memref<36864xf32, #tpu.memory_space<vmem>> -> memref<9216xf32, #tpu.memory_space<vmem>>
    %dma_start3A_22 = arith.constant 27648 : i32
    %dma_start3A_23 = tpu.memref_slice %arg5[%dma_start3A_22] : memref<36864xi32, #tpu.memory_space<vmem>> -> memref<9216xi32, #tpu.memory_space<vmem>>
    %dma_start3A_24 = arith.constant 0 : i32
    %dma_start3A_25 = tpu.memref_slice %arg2[%dma_start3A_24] : memref<16777216xf32, #tpu.memory_space<hbm>> -> memref<16777216xf32, #tpu.memory_space<hbm>>
    tpu.enqueue_indirect_dma source(%dma_start3A_25 : memref<16777216xf32, #tpu.memory_space<hbm>>) target(%dma_start3A_21 : memref<9216xf32, #tpu.memory_space<vmem>>) offsets(%dma_start3A_23 : memref<9216xi32, #tpu.memory_space<vmem>>) semaphore(%arg7 : memref<!tpu.dma_semaphore, #tpu.memory_space<semaphore_mem>>)
    %dma_wait3A = arith.constant 0 : i32
    %dma_wait3A_26 = tpu.memref_slice %arg6[%dma_wait3A] : memref<36864xf32, #tpu.memory_space<vmem>> -> memref<9216xf32, #tpu.memory_space<vmem>>
    %dma_wait3A_27 = arith.constant 0 : i32
    %dma_wait3A_28 = tpu.memref_slice %arg5[%dma_wait3A_27] : memref<36864xi32, #tpu.memory_space<vmem>> -> memref<9216xi32, #tpu.memory_space<vmem>>
    %dma_wait3A_29 = arith.constant 0 : i32
    %dma_wait3A_30 = tpu.memref_slice %arg2[%dma_wait3A_29] : memref<16777216xf32, #tpu.memory_space<hbm>> -> memref<16777216xf32, #tpu.memory_space<hbm>>
    tpu.wait_indirect_dma semaphore(%arg7 : memref<!tpu.dma_semaphore, #tpu.memory_space<semaphore_mem>>) src(%dma_wait3A_30 : memref<16777216xf32, #tpu.memory_space<hbm>>) dst(%dma_wait3A_26 : memref<9216xf32, #tpu.memory_space<vmem>>)
    %dma_wait3A_31 = arith.constant 9216 : i32
    %dma_wait3A_32 = tpu.memref_slice %arg6[%dma_wait3A_31] : memref<36864xf32, #tpu.memory_space<vmem>> -> memref<9216xf32, #tpu.memory_space<vmem>>
    %dma_wait3A_33 = arith.constant 9216 : i32
    %dma_wait3A_34 = tpu.memref_slice %arg5[%dma_wait3A_33] : memref<36864xi32, #tpu.memory_space<vmem>> -> memref<9216xi32, #tpu.memory_space<vmem>>
    %dma_wait3A_35 = arith.constant 0 : i32
    %dma_wait3A_36 = tpu.memref_slice %arg2[%dma_wait3A_35] : memref<16777216xf32, #tpu.memory_space<hbm>> -> memref<16777216xf32, #tpu.memory_space<hbm>>
    tpu.wait_indirect_dma semaphore(%arg7 : memref<!tpu.dma_semaphore, #tpu.memory_space<semaphore_mem>>) src(%dma_wait3A_36 : memref<16777216xf32, #tpu.memory_space<hbm>>) dst(%dma_wait3A_32 : memref<9216xf32, #tpu.memory_space<vmem>>)
    %dma_wait3A_37 = arith.constant 18432 : i32
    %dma_wait3A_38 = tpu.memref_slice %arg6[%dma_wait3A_37] : memref<36864xf32, #tpu.memory_space<vmem>> -> memref<9216xf32, #tpu.memory_space<vmem>>
    %dma_wait3A_39 = arith.constant 18432 : i32
    %dma_wait3A_40 = tpu.memref_slice %arg5[%dma_wait3A_39] : memref<36864xi32, #tpu.memory_space<vmem>> -> memref<9216xi32, #tpu.memory_space<vmem>>
    %dma_wait3A_41 = arith.constant 0 : i32
    %dma_wait3A_42 = tpu.memref_slice %arg2[%dma_wait3A_41] : memref<16777216xf32, #tpu.memory_space<hbm>> -> memref<16777216xf32, #tpu.memory_space<hbm>>
    tpu.wait_indirect_dma semaphore(%arg7 : memref<!tpu.dma_semaphore, #tpu.memory_space<semaphore_mem>>) src(%dma_wait3A_42 : memref<16777216xf32, #tpu.memory_space<hbm>>) dst(%dma_wait3A_38 : memref<9216xf32, #tpu.memory_space<vmem>>)
    %dma_wait3A_43 = arith.constant 27648 : i32
    %dma_wait3A_44 = tpu.memref_slice %arg6[%dma_wait3A_43] : memref<36864xf32, #tpu.memory_space<vmem>> -> memref<9216xf32, #tpu.memory_space<vmem>>
    %dma_wait3A_45 = arith.constant 27648 : i32
    %dma_wait3A_46 = tpu.memref_slice %arg5[%dma_wait3A_45] : memref<36864xi32, #tpu.memory_space<vmem>> -> memref<9216xi32, #tpu.memory_space<vmem>>
    %dma_wait3A_47 = arith.constant 0 : i32
    %dma_wait3A_48 = tpu.memref_slice %arg2[%dma_wait3A_47] : memref<16777216xf32, #tpu.memory_space<hbm>> -> memref<16777216xf32, #tpu.memory_space<hbm>>
    tpu.wait_indirect_dma semaphore(%arg7 : memref<!tpu.dma_semaphore, #tpu.memory_space<semaphore_mem>>) src(%dma_wait3A_48 : memref<16777216xf32, #tpu.memory_space<hbm>>) dst(%dma_wait3A_44 : memref<9216xf32, #tpu.memory_space<vmem>>)
    "tpu.region"() ({
      %run_scoped3A = tpu.sem_alloc : memref<!tpu.dma_semaphore, #tpu.memory_space<semaphore_mem>>
      %dma_start3A_49 = tpu.memref_slice %arg4[%mul3A_2] : memref<1179648xf32, #tpu.memory_space<hbm>> -> memref<36864xf32, #tpu.memory_space<hbm>>
      %dma_start3A_50 = tpu.memref_slice %arg4[%mul3A_2] : memref<1179648xf32, #tpu.memory_space<hbm>> -> memref<36864xf32, #tpu.memory_space<hbm>>
      tpu.enqueue_dma source(%arg6 : memref<36864xf32, #tpu.memory_space<vmem>>) target(%dma_start3A_50 : memref<36864xf32, #tpu.memory_space<hbm>>) target_semaphore(%run_scoped3A : memref<!tpu.dma_semaphore, #tpu.memory_space<semaphore_mem>>)
      %dma_wait3A_51 = tpu.memref_slice %arg4[%mul3A_2] : memref<1179648xf32, #tpu.memory_space<hbm>> -> memref<36864xf32, #tpu.memory_space<hbm>>
      %dma_wait3A_52 = tpu.memref_slice %arg4[%mul3A_2] : memref<1179648xf32, #tpu.memory_space<hbm>> -> memref<36864xf32, #tpu.memory_space<hbm>>
      tpu.wait_dma2 semaphore(%run_scoped3A : memref<!tpu.dma_semaphore, #tpu.memory_space<semaphore_mem>>) src(%arg6 : memref<36864xf32, #tpu.memory_space<vmem>>) dst(%dma_wait3A_52 : memref<36864xf32, #tpu.memory_space<hbm>>)
      tpu.yield
    }) : () -> ()
    return
  }
}

module attributes {stable_mosaic.version = 14 : i64} {
  func.func @_detile_body(%arg0: i32, %arg1: memref<16x65536xf32, #tpu.memory_space<vmem>>, %arg2: memref<576x128xi32, #tpu.memory_space<vmem>>, %arg3: memref<16777216xf32, #tpu.memory_space<hbm>>, %arg4: memref<576x128xi32, #tpu.memory_space<vmem>>, %arg5: memref<!tpu.dma_semaphore, #tpu.memory_space<semaphore_mem>>) attributes {dimension_semantics = [#tpu.dimension_semantics<arbitrary>], iteration_bounds = array<i64: 16>, scalar_prefetch = 0 : i64, scratch_operands = 1 : i64, tpu.core_type = #tpu.core_type<tc>, window_params = [{transform_indices = @transform_0, window_bounds = array<i64: 16, 65536>}, {pipeline_mode = #tpu.pipeline_mode<synchronous>, transform_indices = @transform_1, window_bounds = array<i64: 576, 128>}, {}, {transform_indices = @transform_3, window_bounds = array<i64: 576, 128>}]} {
    %mul3A = arith.constant 65536 : i32
    %mul3A_0 = arith.muli %arg0, %mul3A : i32
    %add3A = arith.constant 0 : i32
    %add3A_1 = arith.addi %add3A, %mul3A_0 : i32
    %dma_start3A = arith.constant 0 : i32
    %dma_start3A_2 = tpu.memref_slice %arg3[%add3A_1] : memref<16777216xf32, #tpu.memory_space<hbm>> -> memref<65536xf32, #tpu.memory_space<hbm>>
    %dma_start3A_3 = arith.constant 0 : i32
    %dma_start3A_4 = tpu.memref_slice %arg1[%dma_start3A, %dma_start3A_3] : memref<16x65536xf32, #tpu.memory_space<vmem>> -> memref<1x65536xf32, #tpu.memory_space<vmem>>
    %dma_start3A_5 = tpu.memref_squeeze %dma_start3A_4 : memref<1x65536xf32, #tpu.memory_space<vmem>> -> memref<65536xf32, #tpu.memory_space<vmem>>
    tpu.enqueue_dma source(%dma_start3A_5 : memref<65536xf32, #tpu.memory_space<vmem>>) target(%dma_start3A_2 : memref<65536xf32, #tpu.memory_space<hbm>>) target_semaphore(%arg5 : memref<!tpu.dma_semaphore, #tpu.memory_space<semaphore_mem>>)
    %mul3A_6 = arith.constant 65536 : i32
    %mul3A_7 = arith.muli %arg0, %mul3A_6 : i32
    %add3A_8 = arith.constant 1048576 : i32
    %add3A_9 = arith.addi %add3A_8, %mul3A_7 : i32
    %dma_start3A_10 = arith.constant 1 : i32
    %dma_start3A_11 = tpu.memref_slice %arg3[%add3A_9] : memref<16777216xf32, #tpu.memory_space<hbm>> -> memref<65536xf32, #tpu.memory_space<hbm>>
    %dma_start3A_12 = arith.constant 0 : i32
    %dma_start3A_13 = tpu.memref_slice %arg1[%dma_start3A_10, %dma_start3A_12] : memref<16x65536xf32, #tpu.memory_space<vmem>> -> memref<1x65536xf32, #tpu.memory_space<vmem>>
    %dma_start3A_14 = tpu.memref_squeeze %dma_start3A_13 : memref<1x65536xf32, #tpu.memory_space<vmem>> -> memref<65536xf32, #tpu.memory_space<vmem>>
    tpu.enqueue_dma source(%dma_start3A_14 : memref<65536xf32, #tpu.memory_space<vmem>>) target(%dma_start3A_11 : memref<65536xf32, #tpu.memory_space<hbm>>) target_semaphore(%arg5 : memref<!tpu.dma_semaphore, #tpu.memory_space<semaphore_mem>>)
    %mul3A_15 = arith.constant 65536 : i32
    %mul3A_16 = arith.muli %arg0, %mul3A_15 : i32
    %add3A_17 = arith.constant 2097152 : i32
    %add3A_18 = arith.addi %add3A_17, %mul3A_16 : i32
    %dma_start3A_19 = arith.constant 2 : i32
    %dma_start3A_20 = tpu.memref_slice %arg3[%add3A_18] : memref<16777216xf32, #tpu.memory_space<hbm>> -> memref<65536xf32, #tpu.memory_space<hbm>>
    %dma_start3A_21 = arith.constant 0 : i32
    %dma_start3A_22 = tpu.memref_slice %arg1[%dma_start3A_19, %dma_start3A_21] : memref<16x65536xf32, #tpu.memory_space<vmem>> -> memref<1x65536xf32, #tpu.memory_space<vmem>>
    %dma_start3A_23 = tpu.memref_squeeze %dma_start3A_22 : memref<1x65536xf32, #tpu.memory_space<vmem>> -> memref<65536xf32, #tpu.memory_space<vmem>>
    tpu.enqueue_dma source(%dma_start3A_23 : memref<65536xf32, #tpu.memory_space<vmem>>) target(%dma_start3A_20 : memref<65536xf32, #tpu.memory_space<hbm>>) target_semaphore(%arg5 : memref<!tpu.dma_semaphore, #tpu.memory_space<semaphore_mem>>)
    %mul3A_24 = arith.constant 65536 : i32
    %mul3A_25 = arith.muli %arg0, %mul3A_24 : i32
    %add3A_26 = arith.constant 3145728 : i32
    %add3A_27 = arith.addi %add3A_26, %mul3A_25 : i32
    %dma_start3A_28 = arith.constant 3 : i32
    %dma_start3A_29 = tpu.memref_slice %arg3[%add3A_27] : memref<16777216xf32, #tpu.memory_space<hbm>> -> memref<65536xf32, #tpu.memory_space<hbm>>
    %dma_start3A_30 = arith.constant 0 : i32
    %dma_start3A_31 = tpu.memref_slice %arg1[%dma_start3A_28, %dma_start3A_30] : memref<16x65536xf32, #tpu.memory_space<vmem>> -> memref<1x65536xf32, #tpu.memory_space<vmem>>
    %dma_start3A_32 = tpu.memref_squeeze %dma_start3A_31 : memref<1x65536xf32, #tpu.memory_space<vmem>> -> memref<65536xf32, #tpu.memory_space<vmem>>
    tpu.enqueue_dma source(%dma_start3A_32 : memref<65536xf32, #tpu.memory_space<vmem>>) target(%dma_start3A_29 : memref<65536xf32, #tpu.memory_space<hbm>>) target_semaphore(%arg5 : memref<!tpu.dma_semaphore, #tpu.memory_space<semaphore_mem>>)
    %mul3A_33 = arith.constant 65536 : i32
    %mul3A_34 = arith.muli %arg0, %mul3A_33 : i32
    %add3A_35 = arith.constant 4194304 : i32
    %add3A_36 = arith.addi %add3A_35, %mul3A_34 : i32
    %dma_start3A_37 = arith.constant 4 : i32
    %dma_start3A_38 = tpu.memref_slice %arg3[%add3A_36] : memref<16777216xf32, #tpu.memory_space<hbm>> -> memref<65536xf32, #tpu.memory_space<hbm>>
    %dma_start3A_39 = arith.constant 0 : i32
    %dma_start3A_40 = tpu.memref_slice %arg1[%dma_start3A_37, %dma_start3A_39] : memref<16x65536xf32, #tpu.memory_space<vmem>> -> memref<1x65536xf32, #tpu.memory_space<vmem>>
    %dma_start3A_41 = tpu.memref_squeeze %dma_start3A_40 : memref<1x65536xf32, #tpu.memory_space<vmem>> -> memref<65536xf32, #tpu.memory_space<vmem>>
    tpu.enqueue_dma source(%dma_start3A_41 : memref<65536xf32, #tpu.memory_space<vmem>>) target(%dma_start3A_38 : memref<65536xf32, #tpu.memory_space<hbm>>) target_semaphore(%arg5 : memref<!tpu.dma_semaphore, #tpu.memory_space<semaphore_mem>>)
    %mul3A_42 = arith.constant 65536 : i32
    %mul3A_43 = arith.muli %arg0, %mul3A_42 : i32
    %add3A_44 = arith.constant 5242880 : i32
    %add3A_45 = arith.addi %add3A_44, %mul3A_43 : i32
    %dma_start3A_46 = arith.constant 5 : i32
    %dma_start3A_47 = tpu.memref_slice %arg3[%add3A_45] : memref<16777216xf32, #tpu.memory_space<hbm>> -> memref<65536xf32, #tpu.memory_space<hbm>>
    %dma_start3A_48 = arith.constant 0 : i32
    %dma_start3A_49 = tpu.memref_slice %arg1[%dma_start3A_46, %dma_start3A_48] : memref<16x65536xf32, #tpu.memory_space<vmem>> -> memref<1x65536xf32, #tpu.memory_space<vmem>>
    %dma_start3A_50 = tpu.memref_squeeze %dma_start3A_49 : memref<1x65536xf32, #tpu.memory_space<vmem>> -> memref<65536xf32, #tpu.memory_space<vmem>>
    tpu.enqueue_dma source(%dma_start3A_50 : memref<65536xf32, #tpu.memory_space<vmem>>) target(%dma_start3A_47 : memref<65536xf32, #tpu.memory_space<hbm>>) target_semaphore(%arg5 : memref<!tpu.dma_semaphore, #tpu.memory_space<semaphore_mem>>)
    %mul3A_51 = arith.constant 65536 : i32
    %mul3A_52 = arith.muli %arg0, %mul3A_51 : i32
    %add3A_53 = arith.constant 6291456 : i32
    %add3A_54 = arith.addi %add3A_53, %mul3A_52 : i32
    %dma_start3A_55 = arith.constant 6 : i32
    %dma_start3A_56 = tpu.memref_slice %arg3[%add3A_54] : memref<16777216xf32, #tpu.memory_space<hbm>> -> memref<65536xf32, #tpu.memory_space<hbm>>
    %dma_start3A_57 = arith.constant 0 : i32
    %dma_start3A_58 = tpu.memref_slice %arg1[%dma_start3A_55, %dma_start3A_57] : memref<16x65536xf32, #tpu.memory_space<vmem>> -> memref<1x65536xf32, #tpu.memory_space<vmem>>
    %dma_start3A_59 = tpu.memref_squeeze %dma_start3A_58 : memref<1x65536xf32, #tpu.memory_space<vmem>> -> memref<65536xf32, #tpu.memory_space<vmem>>
    tpu.enqueue_dma source(%dma_start3A_59 : memref<65536xf32, #tpu.memory_space<vmem>>) target(%dma_start3A_56 : memref<65536xf32, #tpu.memory_space<hbm>>) target_semaphore(%arg5 : memref<!tpu.dma_semaphore, #tpu.memory_space<semaphore_mem>>)
    %mul3A_60 = arith.constant 65536 : i32
    %mul3A_61 = arith.muli %arg0, %mul3A_60 : i32
    %add3A_62 = arith.constant 7340032 : i32
    %add3A_63 = arith.addi %add3A_62, %mul3A_61 : i32
    %dma_start3A_64 = arith.constant 7 : i32
    %dma_start3A_65 = tpu.memref_slice %arg3[%add3A_63] : memref<16777216xf32, #tpu.memory_space<hbm>> -> memref<65536xf32, #tpu.memory_space<hbm>>
    %dma_start3A_66 = arith.constant 0 : i32
    %dma_start3A_67 = tpu.memref_slice %arg1[%dma_start3A_64, %dma_start3A_66] : memref<16x65536xf32, #tpu.memory_space<vmem>> -> memref<1x65536xf32, #tpu.memory_space<vmem>>
    %dma_start3A_68 = tpu.memref_squeeze %dma_start3A_67 : memref<1x65536xf32, #tpu.memory_space<vmem>> -> memref<65536xf32, #tpu.memory_space<vmem>>
    tpu.enqueue_dma source(%dma_start3A_68 : memref<65536xf32, #tpu.memory_space<vmem>>) target(%dma_start3A_65 : memref<65536xf32, #tpu.memory_space<hbm>>) target_semaphore(%arg5 : memref<!tpu.dma_semaphore, #tpu.memory_space<semaphore_mem>>)
    %mul3A_69 = arith.constant 65536 : i32
    %mul3A_70 = arith.muli %arg0, %mul3A_69 : i32
    %add3A_71 = arith.constant 8388608 : i32
    %add3A_72 = arith.addi %add3A_71, %mul3A_70 : i32
    %dma_start3A_73 = arith.constant 8 : i32
    %dma_start3A_74 = tpu.memref_slice %arg3[%add3A_72] : memref<16777216xf32, #tpu.memory_space<hbm>> -> memref<65536xf32, #tpu.memory_space<hbm>>
    %dma_start3A_75 = arith.constant 0 : i32
    %dma_start3A_76 = tpu.memref_slice %arg1[%dma_start3A_73, %dma_start3A_75] : memref<16x65536xf32, #tpu.memory_space<vmem>> -> memref<1x65536xf32, #tpu.memory_space<vmem>>
    %dma_start3A_77 = tpu.memref_squeeze %dma_start3A_76 : memref<1x65536xf32, #tpu.memory_space<vmem>> -> memref<65536xf32, #tpu.memory_space<vmem>>
    tpu.enqueue_dma source(%dma_start3A_77 : memref<65536xf32, #tpu.memory_space<vmem>>) target(%dma_start3A_74 : memref<65536xf32, #tpu.memory_space<hbm>>) target_semaphore(%arg5 : memref<!tpu.dma_semaphore, #tpu.memory_space<semaphore_mem>>)
    %mul3A_78 = arith.constant 65536 : i32
    %mul3A_79 = arith.muli %arg0, %mul3A_78 : i32
    %add3A_80 = arith.constant 9437184 : i32
    %add3A_81 = arith.addi %add3A_80, %mul3A_79 : i32
    %dma_start3A_82 = arith.constant 9 : i32
    %dma_start3A_83 = tpu.memref_slice %arg3[%add3A_81] : memref<16777216xf32, #tpu.memory_space<hbm>> -> memref<65536xf32, #tpu.memory_space<hbm>>
    %dma_start3A_84 = arith.constant 0 : i32
    %dma_start3A_85 = tpu.memref_slice %arg1[%dma_start3A_82, %dma_start3A_84] : memref<16x65536xf32, #tpu.memory_space<vmem>> -> memref<1x65536xf32, #tpu.memory_space<vmem>>
    %dma_start3A_86 = tpu.memref_squeeze %dma_start3A_85 : memref<1x65536xf32, #tpu.memory_space<vmem>> -> memref<65536xf32, #tpu.memory_space<vmem>>
    tpu.enqueue_dma source(%dma_start3A_86 : memref<65536xf32, #tpu.memory_space<vmem>>) target(%dma_start3A_83 : memref<65536xf32, #tpu.memory_space<hbm>>) target_semaphore(%arg5 : memref<!tpu.dma_semaphore, #tpu.memory_space<semaphore_mem>>)
    %mul3A_87 = arith.constant 65536 : i32
    %mul3A_88 = arith.muli %arg0, %mul3A_87 : i32
    %add3A_89 = arith.constant 10485760 : i32
    %add3A_90 = arith.addi %add3A_89, %mul3A_88 : i32
    %dma_start3A_91 = arith.constant 10 : i32
    %dma_start3A_92 = tpu.memref_slice %arg3[%add3A_90] : memref<16777216xf32, #tpu.memory_space<hbm>> -> memref<65536xf32, #tpu.memory_space<hbm>>
    %dma_start3A_93 = arith.constant 0 : i32
    %dma_start3A_94 = tpu.memref_slice %arg1[%dma_start3A_91, %dma_start3A_93] : memref<16x65536xf32, #tpu.memory_space<vmem>> -> memref<1x65536xf32, #tpu.memory_space<vmem>>
    %dma_start3A_95 = tpu.memref_squeeze %dma_start3A_94 : memref<1x65536xf32, #tpu.memory_space<vmem>> -> memref<65536xf32, #tpu.memory_space<vmem>>
    tpu.enqueue_dma source(%dma_start3A_95 : memref<65536xf32, #tpu.memory_space<vmem>>) target(%dma_start3A_92 : memref<65536xf32, #tpu.memory_space<hbm>>) target_semaphore(%arg5 : memref<!tpu.dma_semaphore, #tpu.memory_space<semaphore_mem>>)
    %mul3A_96 = arith.constant 65536 : i32
    %mul3A_97 = arith.muli %arg0, %mul3A_96 : i32
    %add3A_98 = arith.constant 11534336 : i32
    %add3A_99 = arith.addi %add3A_98, %mul3A_97 : i32
    %dma_start3A_100 = arith.constant 11 : i32
    %dma_start3A_101 = tpu.memref_slice %arg3[%add3A_99] : memref<16777216xf32, #tpu.memory_space<hbm>> -> memref<65536xf32, #tpu.memory_space<hbm>>
    %dma_start3A_102 = arith.constant 0 : i32
    %dma_start3A_103 = tpu.memref_slice %arg1[%dma_start3A_100, %dma_start3A_102] : memref<16x65536xf32, #tpu.memory_space<vmem>> -> memref<1x65536xf32, #tpu.memory_space<vmem>>
    %dma_start3A_104 = tpu.memref_squeeze %dma_start3A_103 : memref<1x65536xf32, #tpu.memory_space<vmem>> -> memref<65536xf32, #tpu.memory_space<vmem>>
    tpu.enqueue_dma source(%dma_start3A_104 : memref<65536xf32, #tpu.memory_space<vmem>>) target(%dma_start3A_101 : memref<65536xf32, #tpu.memory_space<hbm>>) target_semaphore(%arg5 : memref<!tpu.dma_semaphore, #tpu.memory_space<semaphore_mem>>)
    %mul3A_105 = arith.constant 65536 : i32
    %mul3A_106 = arith.muli %arg0, %mul3A_105 : i32
    %add3A_107 = arith.constant 12582912 : i32
    %add3A_108 = arith.addi %add3A_107, %mul3A_106 : i32
    %dma_start3A_109 = arith.constant 12 : i32
    %dma_start3A_110 = tpu.memref_slice %arg3[%add3A_108] : memref<16777216xf32, #tpu.memory_space<hbm>> -> memref<65536xf32, #tpu.memory_space<hbm>>
    %dma_start3A_111 = arith.constant 0 : i32
    %dma_start3A_112 = tpu.memref_slice %arg1[%dma_start3A_109, %dma_start3A_111] : memref<16x65536xf32, #tpu.memory_space<vmem>> -> memref<1x65536xf32, #tpu.memory_space<vmem>>
    %dma_start3A_113 = tpu.memref_squeeze %dma_start3A_112 : memref<1x65536xf32, #tpu.memory_space<vmem>> -> memref<65536xf32, #tpu.memory_space<vmem>>
    tpu.enqueue_dma source(%dma_start3A_113 : memref<65536xf32, #tpu.memory_space<vmem>>) target(%dma_start3A_110 : memref<65536xf32, #tpu.memory_space<hbm>>) target_semaphore(%arg5 : memref<!tpu.dma_semaphore, #tpu.memory_space<semaphore_mem>>)
    %mul3A_114 = arith.constant 65536 : i32
    %mul3A_115 = arith.muli %arg0, %mul3A_114 : i32
    %add3A_116 = arith.constant 13631488 : i32
    %add3A_117 = arith.addi %add3A_116, %mul3A_115 : i32
    %dma_start3A_118 = arith.constant 13 : i32
    %dma_start3A_119 = tpu.memref_slice %arg3[%add3A_117] : memref<16777216xf32, #tpu.memory_space<hbm>> -> memref<65536xf32, #tpu.memory_space<hbm>>
    %dma_start3A_120 = arith.constant 0 : i32
    %dma_start3A_121 = tpu.memref_slice %arg1[%dma_start3A_118, %dma_start3A_120] : memref<16x65536xf32, #tpu.memory_space<vmem>> -> memref<1x65536xf32, #tpu.memory_space<vmem>>
    %dma_start3A_122 = tpu.memref_squeeze %dma_start3A_121 : memref<1x65536xf32, #tpu.memory_space<vmem>> -> memref<65536xf32, #tpu.memory_space<vmem>>
    tpu.enqueue_dma source(%dma_start3A_122 : memref<65536xf32, #tpu.memory_space<vmem>>) target(%dma_start3A_119 : memref<65536xf32, #tpu.memory_space<hbm>>) target_semaphore(%arg5 : memref<!tpu.dma_semaphore, #tpu.memory_space<semaphore_mem>>)
    %mul3A_123 = arith.constant 65536 : i32
    %mul3A_124 = arith.muli %arg0, %mul3A_123 : i32
    %add3A_125 = arith.constant 14680064 : i32
    %add3A_126 = arith.addi %add3A_125, %mul3A_124 : i32
    %dma_start3A_127 = arith.constant 14 : i32
    %dma_start3A_128 = tpu.memref_slice %arg3[%add3A_126] : memref<16777216xf32, #tpu.memory_space<hbm>> -> memref<65536xf32, #tpu.memory_space<hbm>>
    %dma_start3A_129 = arith.constant 0 : i32
    %dma_start3A_130 = tpu.memref_slice %arg1[%dma_start3A_127, %dma_start3A_129] : memref<16x65536xf32, #tpu.memory_space<vmem>> -> memref<1x65536xf32, #tpu.memory_space<vmem>>
    %dma_start3A_131 = tpu.memref_squeeze %dma_start3A_130 : memref<1x65536xf32, #tpu.memory_space<vmem>> -> memref<65536xf32, #tpu.memory_space<vmem>>
    tpu.enqueue_dma source(%dma_start3A_131 : memref<65536xf32, #tpu.memory_space<vmem>>) target(%dma_start3A_128 : memref<65536xf32, #tpu.memory_space<hbm>>) target_semaphore(%arg5 : memref<!tpu.dma_semaphore, #tpu.memory_space<semaphore_mem>>)
    %mul3A_132 = arith.constant 65536 : i32
    %mul3A_133 = arith.muli %arg0, %mul3A_132 : i32
    %add3A_134 = arith.constant 15728640 : i32
    %add3A_135 = arith.addi %add3A_134, %mul3A_133 : i32
    %dma_start3A_136 = arith.constant 15 : i32
    %dma_start3A_137 = tpu.memref_slice %arg3[%add3A_135] : memref<16777216xf32, #tpu.memory_space<hbm>> -> memref<65536xf32, #tpu.memory_space<hbm>>
    %dma_start3A_138 = arith.constant 0 : i32
    %dma_start3A_139 = tpu.memref_slice %arg1[%dma_start3A_136, %dma_start3A_138] : memref<16x65536xf32, #tpu.memory_space<vmem>> -> memref<1x65536xf32, #tpu.memory_space<vmem>>
    %dma_start3A_140 = tpu.memref_squeeze %dma_start3A_139 : memref<1x65536xf32, #tpu.memory_space<vmem>> -> memref<65536xf32, #tpu.memory_space<vmem>>
    tpu.enqueue_dma source(%dma_start3A_140 : memref<65536xf32, #tpu.memory_space<vmem>>) target(%dma_start3A_137 : memref<65536xf32, #tpu.memory_space<hbm>>) target_semaphore(%arg5 : memref<!tpu.dma_semaphore, #tpu.memory_space<semaphore_mem>>)
    %get3A = arith.constant 0 : index
    %get3A_141 = arith.constant 0 : index
    %get3A_142 = vector.load %arg2[%get3A, %get3A_141] : memref<576x128xi32, #tpu.memory_space<vmem>>, vector<576x128xi32>
    %mul3A_143 = arith.constant 1048576 : i32
    %mul3A_144 = arith.muli %arg0, %mul3A_143 : i32
    %add3A_145 = vector.broadcast %mul3A_144 : i32 to vector<576x128xi32>
    %add3A_146 = arith.addi %get3A_142, %add3A_145 : vector<576x128xi32>
    %swap3A = arith.constant 0 : index
    %swap3A_147 = arith.constant 0 : index
    %swap3A_148 = vector.load %arg4[%swap3A, %swap3A_147] : memref<576x128xi32, #tpu.memory_space<vmem>>, vector<576x128xi32>
    tpu.vector_store %arg4[%swap3A, %swap3A_147], %add3A_146 {strides = array<i32>} : memref<576x128xi32, #tpu.memory_space<vmem>>, vector<576x128xi32>,
    %dma_wait3A = arith.constant 0 : i32
    %dma_wait3A_149 = tpu.memref_slice %arg3[%add3A_1] : memref<16777216xf32, #tpu.memory_space<hbm>> -> memref<65536xf32, #tpu.memory_space<hbm>>
    %dma_wait3A_150 = arith.constant 0 : i32
    %dma_wait3A_151 = tpu.memref_slice %arg1[%dma_wait3A, %dma_wait3A_150] : memref<16x65536xf32, #tpu.memory_space<vmem>> -> memref<1x65536xf32, #tpu.memory_space<vmem>>
    %dma_wait3A_152 = tpu.memref_squeeze %dma_wait3A_151 : memref<1x65536xf32, #tpu.memory_space<vmem>> -> memref<65536xf32, #tpu.memory_space<vmem>>
    tpu.wait_dma2 semaphore(%arg5 : memref<!tpu.dma_semaphore, #tpu.memory_space<semaphore_mem>>) src(%dma_wait3A_152 : memref<65536xf32, #tpu.memory_space<vmem>>) dst(%dma_wait3A_149 : memref<65536xf32, #tpu.memory_space<hbm>>)
    %dma_wait3A_153 = arith.constant 1 : i32
    %dma_wait3A_154 = tpu.memref_slice %arg3[%add3A_9] : memref<16777216xf32, #tpu.memory_space<hbm>> -> memref<65536xf32, #tpu.memory_space<hbm>>
    %dma_wait3A_155 = arith.constant 0 : i32
    %dma_wait3A_156 = tpu.memref_slice %arg1[%dma_wait3A_153, %dma_wait3A_155] : memref<16x65536xf32, #tpu.memory_space<vmem>> -> memref<1x65536xf32, #tpu.memory_space<vmem>>
    %dma_wait3A_157 = tpu.memref_squeeze %dma_wait3A_156 : memref<1x65536xf32, #tpu.memory_space<vmem>> -> memref<65536xf32, #tpu.memory_space<vmem>>
    tpu.wait_dma2 semaphore(%arg5 : memref<!tpu.dma_semaphore, #tpu.memory_space<semaphore_mem>>) src(%dma_wait3A_157 : memref<65536xf32, #tpu.memory_space<vmem>>) dst(%dma_wait3A_154 : memref<65536xf32, #tpu.memory_space<hbm>>)
    %dma_wait3A_158 = arith.constant 2 : i32
    %dma_wait3A_159 = tpu.memref_slice %arg3[%add3A_18] : memref<16777216xf32, #tpu.memory_space<hbm>> -> memref<65536xf32, #tpu.memory_space<hbm>>
    %dma_wait3A_160 = arith.constant 0 : i32
    %dma_wait3A_161 = tpu.memref_slice %arg1[%dma_wait3A_158, %dma_wait3A_160] : memref<16x65536xf32, #tpu.memory_space<vmem>> -> memref<1x65536xf32, #tpu.memory_space<vmem>>
    %dma_wait3A_162 = tpu.memref_squeeze %dma_wait3A_161 : memref<1x65536xf32, #tpu.memory_space<vmem>> -> memref<65536xf32, #tpu.memory_space<vmem>>
    tpu.wait_dma2 semaphore(%arg5 : memref<!tpu.dma_semaphore, #tpu.memory_space<semaphore_mem>>) src(%dma_wait3A_162 : memref<65536xf32, #tpu.memory_space<vmem>>) dst(%dma_wait3A_159 : memref<65536xf32, #tpu.memory_space<hbm>>)
    %dma_wait3A_163 = arith.constant 3 : i32
    %dma_wait3A_164 = tpu.memref_slice %arg3[%add3A_27] : memref<16777216xf32, #tpu.memory_space<hbm>> -> memref<65536xf32, #tpu.memory_space<hbm>>
    %dma_wait3A_165 = arith.constant 0 : i32
    %dma_wait3A_166 = tpu.memref_slice %arg1[%dma_wait3A_163, %dma_wait3A_165] : memref<16x65536xf32, #tpu.memory_space<vmem>> -> memref<1x65536xf32, #tpu.memory_space<vmem>>
    %dma_wait3A_167 = tpu.memref_squeeze %dma_wait3A_166 : memref<1x65536xf32, #tpu.memory_space<vmem>> -> memref<65536xf32, #tpu.memory_space<vmem>>
    tpu.wait_dma2 semaphore(%arg5 : memref<!tpu.dma_semaphore, #tpu.memory_space<semaphore_mem>>) src(%dma_wait3A_167 : memref<65536xf32, #tpu.memory_space<vmem>>) dst(%dma_wait3A_164 : memref<65536xf32, #tpu.memory_space<hbm>>)
    %dma_wait3A_168 = arith.constant 4 : i32
    %dma_wait3A_169 = tpu.memref_slice %arg3[%add3A_36] : memref<16777216xf32, #tpu.memory_space<hbm>> -> memref<65536xf32, #tpu.memory_space<hbm>>
    %dma_wait3A_170 = arith.constant 0 : i32
    %dma_wait3A_171 = tpu.memref_slice %arg1[%dma_wait3A_168, %dma_wait3A_170] : memref<16x65536xf32, #tpu.memory_space<vmem>> -> memref<1x65536xf32, #tpu.memory_space<vmem>>
    %dma_wait3A_172 = tpu.memref_squeeze %dma_wait3A_171 : memref<1x65536xf32, #tpu.memory_space<vmem>> -> memref<65536xf32, #tpu.memory_space<vmem>>
    tpu.wait_dma2 semaphore(%arg5 : memref<!tpu.dma_semaphore, #tpu.memory_space<semaphore_mem>>) src(%dma_wait3A_172 : memref<65536xf32, #tpu.memory_space<vmem>>) dst(%dma_wait3A_169 : memref<65536xf32, #tpu.memory_space<hbm>>)
    %dma_wait3A_173 = arith.constant 5 : i32
    %dma_wait3A_174 = tpu.memref_slice %arg3[%add3A_45] : memref<16777216xf32, #tpu.memory_space<hbm>> -> memref<65536xf32, #tpu.memory_space<hbm>>
    %dma_wait3A_175 = arith.constant 0 : i32
    %dma_wait3A_176 = tpu.memref_slice %arg1[%dma_wait3A_173, %dma_wait3A_175] : memref<16x65536xf32, #tpu.memory_space<vmem>> -> memref<1x65536xf32, #tpu.memory_space<vmem>>
    %dma_wait3A_177 = tpu.memref_squeeze %dma_wait3A_176 : memref<1x65536xf32, #tpu.memory_space<vmem>> -> memref<65536xf32, #tpu.memory_space<vmem>>
    tpu.wait_dma2 semaphore(%arg5 : memref<!tpu.dma_semaphore, #tpu.memory_space<semaphore_mem>>) src(%dma_wait3A_177 : memref<65536xf32, #tpu.memory_space<vmem>>) dst(%dma_wait3A_174 : memref<65536xf32, #tpu.memory_space<hbm>>)
    %dma_wait3A_178 = arith.constant 6 : i32
    %dma_wait3A_179 = tpu.memref_slice %arg3[%add3A_54] : memref<16777216xf32, #tpu.memory_space<hbm>> -> memref<65536xf32, #tpu.memory_space<hbm>>
    %dma_wait3A_180 = arith.constant 0 : i32
    %dma_wait3A_181 = tpu.memref_slice %arg1[%dma_wait3A_178, %dma_wait3A_180] : memref<16x65536xf32, #tpu.memory_space<vmem>> -> memref<1x65536xf32, #tpu.memory_space<vmem>>
    %dma_wait3A_182 = tpu.memref_squeeze %dma_wait3A_181 : memref<1x65536xf32, #tpu.memory_space<vmem>> -> memref<65536xf32, #tpu.memory_space<vmem>>
    tpu.wait_dma2 semaphore(%arg5 : memref<!tpu.dma_semaphore, #tpu.memory_space<semaphore_mem>>) src(%dma_wait3A_182 : memref<65536xf32, #tpu.memory_space<vmem>>) dst(%dma_wait3A_179 : memref<65536xf32, #tpu.memory_space<hbm>>)
    %dma_wait3A_183 = arith.constant 7 : i32
    %dma_wait3A_184 = tpu.memref_slice %arg3[%add3A_63] : memref<16777216xf32, #tpu.memory_space<hbm>> -> memref<65536xf32, #tpu.memory_space<hbm>>
    %dma_wait3A_185 = arith.constant 0 : i32
    %dma_wait3A_186 = tpu.memref_slice %arg1[%dma_wait3A_183, %dma_wait3A_185] : memref<16x65536xf32, #tpu.memory_space<vmem>> -> memref<1x65536xf32, #tpu.memory_space<vmem>>
    %dma_wait3A_187 = tpu.memref_squeeze %dma_wait3A_186 : memref<1x65536xf32, #tpu.memory_space<vmem>> -> memref<65536xf32, #tpu.memory_space<vmem>>
    tpu.wait_dma2 semaphore(%arg5 : memref<!tpu.dma_semaphore, #tpu.memory_space<semaphore_mem>>) src(%dma_wait3A_187 : memref<65536xf32, #tpu.memory_space<vmem>>) dst(%dma_wait3A_184 : memref<65536xf32, #tpu.memory_space<hbm>>)
    %dma_wait3A_188 = arith.constant 8 : i32
    %dma_wait3A_189 = tpu.memref_slice %arg3[%add3A_72] : memref<16777216xf32, #tpu.memory_space<hbm>> -> memref<65536xf32, #tpu.memory_space<hbm>>
    %dma_wait3A_190 = arith.constant 0 : i32
    %dma_wait3A_191 = tpu.memref_slice %arg1[%dma_wait3A_188, %dma_wait3A_190] : memref<16x65536xf32, #tpu.memory_space<vmem>> -> memref<1x65536xf32, #tpu.memory_space<vmem>>
    %dma_wait3A_192 = tpu.memref_squeeze %dma_wait3A_191 : memref<1x65536xf32, #tpu.memory_space<vmem>> -> memref<65536xf32, #tpu.memory_space<vmem>>
    tpu.wait_dma2 semaphore(%arg5 : memref<!tpu.dma_semaphore, #tpu.memory_space<semaphore_mem>>) src(%dma_wait3A_192 : memref<65536xf32, #tpu.memory_space<vmem>>) dst(%dma_wait3A_189 : memref<65536xf32, #tpu.memory_space<hbm>>)
    %dma_wait3A_193 = arith.constant 9 : i32
    %dma_wait3A_194 = tpu.memref_slice %arg3[%add3A_81] : memref<16777216xf32, #tpu.memory_space<hbm>> -> memref<65536xf32, #tpu.memory_space<hbm>>
    %dma_wait3A_195 = arith.constant 0 : i32
    %dma_wait3A_196 = tpu.memref_slice %arg1[%dma_wait3A_193, %dma_wait3A_195] : memref<16x65536xf32, #tpu.memory_space<vmem>> -> memref<1x65536xf32, #tpu.memory_space<vmem>>
    %dma_wait3A_197 = tpu.memref_squeeze %dma_wait3A_196 : memref<1x65536xf32, #tpu.memory_space<vmem>> -> memref<65536xf32, #tpu.memory_space<vmem>>
    tpu.wait_dma2 semaphore(%arg5 : memref<!tpu.dma_semaphore, #tpu.memory_space<semaphore_mem>>) src(%dma_wait3A_197 : memref<65536xf32, #tpu.memory_space<vmem>>) dst(%dma_wait3A_194 : memref<65536xf32, #tpu.memory_space<hbm>>)
    %dma_wait3A_198 = arith.constant 10 : i32
    %dma_wait3A_199 = tpu.memref_slice %arg3[%add3A_90] : memref<16777216xf32, #tpu.memory_space<hbm>> -> memref<65536xf32, #tpu.memory_space<hbm>>
    %dma_wait3A_200 = arith.constant 0 : i32
    %dma_wait3A_201 = tpu.memref_slice %arg1[%dma_wait3A_198, %dma_wait3A_200] : memref<16x65536xf32, #tpu.memory_space<vmem>> -> memref<1x65536xf32, #tpu.memory_space<vmem>>
    %dma_wait3A_202 = tpu.memref_squeeze %dma_wait3A_201 : memref<1x65536xf32, #tpu.memory_space<vmem>> -> memref<65536xf32, #tpu.memory_space<vmem>>
    tpu.wait_dma2 semaphore(%arg5 : memref<!tpu.dma_semaphore, #tpu.memory_space<semaphore_mem>>) src(%dma_wait3A_202 : memref<65536xf32, #tpu.memory_space<vmem>>) dst(%dma_wait3A_199 : memref<65536xf32, #tpu.memory_space<hbm>>)
    %dma_wait3A_203 = arith.constant 11 : i32
    %dma_wait3A_204 = tpu.memref_slice %arg3[%add3A_99] : memref<16777216xf32, #tpu.memory_space<hbm>> -> memref<65536xf32, #tpu.memory_space<hbm>>
    %dma_wait3A_205 = arith.constant 0 : i32
    %dma_wait3A_206 = tpu.memref_slice %arg1[%dma_wait3A_203, %dma_wait3A_205] : memref<16x65536xf32, #tpu.memory_space<vmem>> -> memref<1x65536xf32, #tpu.memory_space<vmem>>
    %dma_wait3A_207 = tpu.memref_squeeze %dma_wait3A_206 : memref<1x65536xf32, #tpu.memory_space<vmem>> -> memref<65536xf32, #tpu.memory_space<vmem>>
    tpu.wait_dma2 semaphore(%arg5 : memref<!tpu.dma_semaphore, #tpu.memory_space<semaphore_mem>>) src(%dma_wait3A_207 : memref<65536xf32, #tpu.memory_space<vmem>>) dst(%dma_wait3A_204 : memref<65536xf32, #tpu.memory_space<hbm>>)
    %dma_wait3A_208 = arith.constant 12 : i32
    %dma_wait3A_209 = tpu.memref_slice %arg3[%add3A_108] : memref<16777216xf32, #tpu.memory_space<hbm>> -> memref<65536xf32, #tpu.memory_space<hbm>>
    %dma_wait3A_210 = arith.constant 0 : i32
    %dma_wait3A_211 = tpu.memref_slice %arg1[%dma_wait3A_208, %dma_wait3A_210] : memref<16x65536xf32, #tpu.memory_space<vmem>> -> memref<1x65536xf32, #tpu.memory_space<vmem>>
    %dma_wait3A_212 = tpu.memref_squeeze %dma_wait3A_211 : memref<1x65536xf32, #tpu.memory_space<vmem>> -> memref<65536xf32, #tpu.memory_space<vmem>>
    tpu.wait_dma2 semaphore(%arg5 : memref<!tpu.dma_semaphore, #tpu.memory_space<semaphore_mem>>) src(%dma_wait3A_212 : memref<65536xf32, #tpu.memory_space<vmem>>) dst(%dma_wait3A_209 : memref<65536xf32, #tpu.memory_space<hbm>>)
    %dma_wait3A_213 = arith.constant 13 : i32
    %dma_wait3A_214 = tpu.memref_slice %arg3[%add3A_117] : memref<16777216xf32, #tpu.memory_space<hbm>> -> memref<65536xf32, #tpu.memory_space<hbm>>
    %dma_wait3A_215 = arith.constant 0 : i32
    %dma_wait3A_216 = tpu.memref_slice %arg1[%dma_wait3A_213, %dma_wait3A_215] : memref<16x65536xf32, #tpu.memory_space<vmem>> -> memref<1x65536xf32, #tpu.memory_space<vmem>>
    %dma_wait3A_217 = tpu.memref_squeeze %dma_wait3A_216 : memref<1x65536xf32, #tpu.memory_space<vmem>> -> memref<65536xf32, #tpu.memory_space<vmem>>
    tpu.wait_dma2 semaphore(%arg5 : memref<!tpu.dma_semaphore, #tpu.memory_space<semaphore_mem>>) src(%dma_wait3A_217 : memref<65536xf32, #tpu.memory_space<vmem>>) dst(%dma_wait3A_214 : memref<65536xf32, #tpu.memory_space<hbm>>)
    %dma_wait3A_218 = arith.constant 14 : i32
    %dma_wait3A_219 = tpu.memref_slice %arg3[%add3A_126] : memref<16777216xf32, #tpu.memory_space<hbm>> -> memref<65536xf32, #tpu.memory_space<hbm>>
    %dma_wait3A_220 = arith.constant 0 : i32
    %dma_wait3A_221 = tpu.memref_slice %arg1[%dma_wait3A_218, %dma_wait3A_220] : memref<16x65536xf32, #tpu.memory_space<vmem>> -> memref<1x65536xf32, #tpu.memory_space<vmem>>
    %dma_wait3A_222 = tpu.memref_squeeze %dma_wait3A_221 : memref<1x65536xf32, #tpu.memory_space<vmem>> -> memref<65536xf32, #tpu.memory_space<vmem>>
    tpu.wait_dma2 semaphore(%arg5 : memref<!tpu.dma_semaphore, #tpu.memory_space<semaphore_mem>>) src(%dma_wait3A_222 : memref<65536xf32, #tpu.memory_space<vmem>>) dst(%dma_wait3A_219 : memref<65536xf32, #tpu.memory_space<hbm>>)
    %dma_wait3A_223 = arith.constant 15 : i32
    %dma_wait3A_224 = tpu.memref_slice %arg3[%add3A_135] : memref<16777216xf32, #tpu.memory_space<hbm>> -> memref<65536xf32, #tpu.memory_space<hbm>>
    %dma_wait3A_225 = arith.constant 0 : i32
    %dma_wait3A_226 = tpu.memref_slice %arg1[%dma_wait3A_223, %dma_wait3A_225] : memref<16x65536xf32, #tpu.memory_space<vmem>> -> memref<1x65536xf32, #tpu.memory_space<vmem>>
    %dma_wait3A_227 = tpu.memref_squeeze %dma_wait3A_226 : memref<1x65536xf32, #tpu.memory_space<vmem>> -> memref<65536xf32, #tpu.memory_space<vmem>>
    tpu.wait_dma2 semaphore(%arg5 : memref<!tpu.dma_semaphore, #tpu.memory_space<semaphore_mem>>) src(%dma_wait3A_227 : memref<65536xf32, #tpu.memory_space<vmem>>) dst(%dma_wait3A_224 : memref<65536xf32, #tpu.memory_space<hbm>>)
    return
  }
  func.func @transform_0(%arg0: i32) -> (i32, i32) {
    %c0_i32 = arith.constant 0 : i32
    %c0_i32_0 = arith.constant 0 : i32
    return %c0_i32, %arg0 : i32, i32
  }
  func.func @transform_1(%arg0: i32) -> (i32, i32) {
    %c0_i32 = arith.constant 0 : i32
    %c0_i32_0 = arith.constant 0 : i32
    %c0_i32_1 = arith.constant 0 : i32
    return %c0_i32, %c0_i32_0 : i32, i32
  }
  func.func @transform_3(%arg0: i32) -> (i32, i32) {
    %c0_i32 = arith.constant 0 : i32
    %c0_i32_0 = arith.constant 0 : i32
    return %arg0, %c0_i32 : i32, i32
  }
}

module attributes {stable_mosaic.version = 14 : i64} {
  func.func @_stats_body(%arg0: memref<16x1024xf32, #tpu.memory_space<vmem>>, %arg1: memref<16x51200xf32, #tpu.memory_space<vmem>>, %arg2: memref<16x20480xf32, #tpu.memory_space<vmem>>, %arg3: memref<16x1024xf32, #tpu.memory_space<vmem>>, %arg4: memref<1x1xf32, #tpu.memory_space<smem>>) attributes {dimension_semantics = [], scalar_prefetch = 0 : i64, scratch_operands = 0 : i64, tpu.core_type = #tpu.core_type<tc>} {
    %get3A = arith.constant 0 : index
    %get3A_0 = arith.constant 0 : index
    %get3A_1 = vector.load %arg0[%get3A, %get3A_0] : memref<16x1024xf32, #tpu.memory_space<vmem>>, vector<16x1024xf32>
    %mul3A = arith.mulf %get3A_1, %get3A_1 : vector<16x1024xf32>
    %reduce_sum3A = arith.constant dense<0.000000e+00> : vector<1024xf32>
    %reduce_sum3A_2 = vector.multi_reduction <add>, %mul3A, %reduce_sum3A [0] : vector<16x1024xf32> to vector<1024xf32>
    %broadcast_in_dim3A = vector.shape_cast %reduce_sum3A_2 : vector<1024xf32> to vector<1x1024xf32>
    %max3A = arith.constant 1.000000e-24 : f32
    %max3A_3 = vector.broadcast %max3A : f32 to vector<1x1024xf32>
    %max3A_4 = arith.maximumf %broadcast_in_dim3A, %max3A_3 : vector<1x1024xf32>
    %rsqrt3A = math.rsqrt %max3A_4 : vector<1x1024xf32>
    %min3A = arith.constant 1.000000e+00 : f32
    %min3A_5 = vector.broadcast %min3A : f32 to vector<1x1024xf32>
    %min3A_6 = arith.minimumf %min3A_5, %rsqrt3A : vector<1x1024xf32>
    %mul3A_7 = vector.broadcast %min3A_6 : vector<1x1024xf32> to vector<16x1024xf32>
    %mul3A_8 = arith.mulf %get3A_1, %mul3A_7 : vector<16x1024xf32>
    %swap3A = arith.constant 0 : index
    %swap3A_9 = arith.constant 0 : index
    %swap3A_10 = vector.load %arg3[%swap3A, %swap3A_9] : memref<16x1024xf32, #tpu.memory_space<vmem>>, vector<16x1024xf32>
    tpu.vector_store %arg3[%swap3A, %swap3A_9], %mul3A_8 {strides = array<i32>} : memref<16x1024xf32, #tpu.memory_space<vmem>>, vector<16x1024xf32>,
    %get3A_11 = arith.constant 0 : index
    %get3A_12 = arith.constant 0 : index
    %get3A_13 = vector.load %arg1[%get3A_11, %get3A_12] : memref<16x51200xf32, #tpu.memory_space<vmem>>, vector<16x51200xf32>
    %mul3A_14 = arith.mulf %get3A_13, %get3A_13 : vector<16x51200xf32>
    %reduce_sum3A_15 = arith.constant dense<0.000000e+00> : vector<51200xf32>
    %reduce_sum3A_16 = vector.multi_reduction <add>, %mul3A_14, %reduce_sum3A_15 [0] : vector<16x51200xf32> to vector<51200xf32>
    %broadcast_in_dim3A_17 = vector.shape_cast %reduce_sum3A_16 : vector<51200xf32> to vector<1x51200xf32>
    %max3A_18 = arith.constant 1.000000e-24 : f32
    %max3A_19 = vector.broadcast %max3A_18 : f32 to vector<1x51200xf32>
    %max3A_20 = arith.maximumf %broadcast_in_dim3A_17, %max3A_19 : vector<1x51200xf32>
    %rsqrt3A_21 = math.rsqrt %max3A_20 : vector<1x51200xf32>
    %min3A_22 = arith.constant 1.000000e+00 : f32
    %min3A_23 = vector.broadcast %min3A_22 : f32 to vector<1x51200xf32>
    %min3A_24 = arith.minimumf %min3A_23, %rsqrt3A_21 : vector<1x51200xf32>
    %mul3A_25 = vector.broadcast %min3A_24 : vector<1x51200xf32> to vector<16x51200xf32>
    %mul3A_26 = arith.mulf %get3A_13, %mul3A_25 : vector<16x51200xf32>
    %slice3A = vector.extract_strided_slice %mul3A_26 {offsets = [0, 0], sizes = [16, 1024], strides = [1, 1]} : vector<16x51200xf32> to vector<16x1024xf32>
    %slice3A_27 = vector.extract_strided_slice %mul3A_26 {offsets = [0, 1024], sizes = [16, 1024], strides = [1, 1]} : vector<16x51200xf32> to vector<16x1024xf32>
    %add3A = arith.addf %slice3A, %slice3A_27 : vector<16x1024xf32>
    %slice3A_28 = vector.extract_strided_slice %mul3A_26 {offsets = [0, 2048], sizes = [16, 1024], strides = [1, 1]} : vector<16x51200xf32> to vector<16x1024xf32>
    %add3A_29 = arith.addf %add3A, %slice3A_28 : vector<16x1024xf32>
    %slice3A_30 = vector.extract_strided_slice %mul3A_26 {offsets = [0, 3072], sizes = [16, 1024], strides = [1, 1]} : vector<16x51200xf32> to vector<16x1024xf32>
    %add3A_31 = arith.addf %add3A_29, %slice3A_30 : vector<16x1024xf32>
    %slice3A_32 = vector.extract_strided_slice %mul3A_26 {offsets = [0, 4096], sizes = [16, 1024], strides = [1, 1]} : vector<16x51200xf32> to vector<16x1024xf32>
    %add3A_33 = arith.addf %add3A_31, %slice3A_32 : vector<16x1024xf32>
    %slice3A_34 = vector.extract_strided_slice %mul3A_26 {offsets = [0, 5120], sizes = [16, 1024], strides = [1, 1]} : vector<16x51200xf32> to vector<16x1024xf32>
    %add3A_35 = arith.addf %add3A_33, %slice3A_34 : vector<16x1024xf32>
    %slice3A_36 = vector.extract_strided_slice %mul3A_26 {offsets = [0, 6144], sizes = [16, 1024], strides = [1, 1]} : vector<16x51200xf32> to vector<16x1024xf32>
    %add3A_37 = arith.addf %add3A_35, %slice3A_36 : vector<16x1024xf32>
    %slice3A_38 = vector.extract_strided_slice %mul3A_26 {offsets = [0, 7168], sizes = [16, 1024], strides = [1, 1]} : vector<16x51200xf32> to vector<16x1024xf32>
    %add3A_39 = arith.addf %add3A_37, %slice3A_38 : vector<16x1024xf32>
    %slice3A_40 = vector.extract_strided_slice %mul3A_26 {offsets = [0, 8192], sizes = [16, 1024], strides = [1, 1]} : vector<16x51200xf32> to vector<16x1024xf32>
    %add3A_41 = arith.addf %add3A_39, %slice3A_40 : vector<16x1024xf32>
    %slice3A_42 = vector.extract_strided_slice %mul3A_26 {offsets = [0, 9216], sizes = [16, 1024], strides = [1, 1]} : vector<16x51200xf32> to vector<16x1024xf32>
    %add3A_43 = arith.addf %add3A_41, %slice3A_42 : vector<16x1024xf32>
    %slice3A_44 = vector.extract_strided_slice %mul3A_26 {offsets = [0, 10240], sizes = [16, 1024], strides = [1, 1]} : vector<16x51200xf32> to vector<16x1024xf32>
    %add3A_45 = arith.addf %add3A_43, %slice3A_44 : vector<16x1024xf32>
    %slice3A_46 = vector.extract_strided_slice %mul3A_26 {offsets = [0, 11264], sizes = [16, 1024], strides = [1, 1]} : vector<16x51200xf32> to vector<16x1024xf32>
    %add3A_47 = arith.addf %add3A_45, %slice3A_46 : vector<16x1024xf32>
    %slice3A_48 = vector.extract_strided_slice %mul3A_26 {offsets = [0, 12288], sizes = [16, 1024], strides = [1, 1]} : vector<16x51200xf32> to vector<16x1024xf32>
    %add3A_49 = arith.addf %add3A_47, %slice3A_48 : vector<16x1024xf32>
    %slice3A_50 = vector.extract_strided_slice %mul3A_26 {offsets = [0, 13312], sizes = [16, 1024], strides = [1, 1]} : vector<16x51200xf32> to vector<16x1024xf32>
    %add3A_51 = arith.addf %add3A_49, %slice3A_50 : vector<16x1024xf32>
    %slice3A_52 = vector.extract_strided_slice %mul3A_26 {offsets = [0, 14336], sizes = [16, 1024], strides = [1, 1]} : vector<16x51200xf32> to vector<16x1024xf32>
    %add3A_53 = arith.addf %add3A_51, %slice3A_52 : vector<16x1024xf32>
    %slice3A_54 = vector.extract_strided_slice %mul3A_26 {offsets = [0, 15360], sizes = [16, 1024], strides = [1, 1]} : vector<16x51200xf32> to vector<16x1024xf32>
    %add3A_55 = arith.addf %add3A_53, %slice3A_54 : vector<16x1024xf32>
    %slice3A_56 = vector.extract_strided_slice %mul3A_26 {offsets = [0, 16384], sizes = [16, 1024], strides = [1, 1]} : vector<16x51200xf32> to vector<16x1024xf32>
    %add3A_57 = arith.addf %add3A_55, %slice3A_56 : vector<16x1024xf32>
    %slice3A_58 = vector.extract_strided_slice %mul3A_26 {offsets = [0, 17408], sizes = [16, 1024], strides = [1, 1]} : vector<16x51200xf32> to vector<16x1024xf32>
    %add3A_59 = arith.addf %add3A_57, %slice3A_58 : vector<16x1024xf32>
    %slice3A_60 = vector.extract_strided_slice %mul3A_26 {offsets = [0, 18432], sizes = [16, 1024], strides = [1, 1]} : vector<16x51200xf32> to vector<16x1024xf32>
    %add3A_61 = arith.addf %add3A_59, %slice3A_60 : vector<16x1024xf32>
    %slice3A_62 = vector.extract_strided_slice %mul3A_26 {offsets = [0, 19456], sizes = [16, 1024], strides = [1, 1]} : vector<16x51200xf32> to vector<16x1024xf32>
    %add3A_63 = arith.addf %add3A_61, %slice3A_62 : vector<16x1024xf32>
    %slice3A_64 = vector.extract_strided_slice %mul3A_26 {offsets = [0, 20480], sizes = [16, 1024], strides = [1, 1]} : vector<16x51200xf32> to vector<16x1024xf32>
    %add3A_65 = arith.addf %add3A_63, %slice3A_64 : vector<16x1024xf32>
    %slice3A_66 = vector.extract_strided_slice %mul3A_26 {offsets = [0, 21504], sizes = [16, 1024], strides = [1, 1]} : vector<16x51200xf32> to vector<16x1024xf32>
    %add3A_67 = arith.addf %add3A_65, %slice3A_66 : vector<16x1024xf32>
    %slice3A_68 = vector.extract_strided_slice %mul3A_26 {offsets = [0, 22528], sizes = [16, 1024], strides = [1, 1]} : vector<16x51200xf32> to vector<16x1024xf32>
    %add3A_69 = arith.addf %add3A_67, %slice3A_68 : vector<16x1024xf32>
    %slice3A_70 = vector.extract_strided_slice %mul3A_26 {offsets = [0, 23552], sizes = [16, 1024], strides = [1, 1]} : vector<16x51200xf32> to vector<16x1024xf32>
    %add3A_71 = arith.addf %add3A_69, %slice3A_70 : vector<16x1024xf32>
    %slice3A_72 = vector.extract_strided_slice %mul3A_26 {offsets = [0, 24576], sizes = [16, 1024], strides = [1, 1]} : vector<16x51200xf32> to vector<16x1024xf32>
    %add3A_73 = arith.addf %add3A_71, %slice3A_72 : vector<16x1024xf32>
    %slice3A_74 = vector.extract_strided_slice %mul3A_26 {offsets = [0, 25600], sizes = [16, 1024], strides = [1, 1]} : vector<16x51200xf32> to vector<16x1024xf32>
    %add3A_75 = arith.addf %add3A_73, %slice3A_74 : vector<16x1024xf32>
    %slice3A_76 = vector.extract_strided_slice %mul3A_26 {offsets = [0, 26624], sizes = [16, 1024], strides = [1, 1]} : vector<16x51200xf32> to vector<16x1024xf32>
    %add3A_77 = arith.addf %add3A_75, %slice3A_76 : vector<16x1024xf32>
    %slice3A_78 = vector.extract_strided_slice %mul3A_26 {offsets = [0, 27648], sizes = [16, 1024], strides = [1, 1]} : vector<16x51200xf32> to vector<16x1024xf32>
    %add3A_79 = arith.addf %add3A_77, %slice3A_78 : vector<16x1024xf32>
    %slice3A_80 = vector.extract_strided_slice %mul3A_26 {offsets = [0, 28672], sizes = [16, 1024], strides = [1, 1]} : vector<16x51200xf32> to vector<16x1024xf32>
    %add3A_81 = arith.addf %add3A_79, %slice3A_80 : vector<16x1024xf32>
    %slice3A_82 = vector.extract_strided_slice %mul3A_26 {offsets = [0, 29696], sizes = [16, 1024], strides = [1, 1]} : vector<16x51200xf32> to vector<16x1024xf32>
    %add3A_83 = arith.addf %add3A_81, %slice3A_82 : vector<16x1024xf32>
    %slice3A_84 = vector.extract_strided_slice %mul3A_26 {offsets = [0, 30720], sizes = [16, 1024], strides = [1, 1]} : vector<16x51200xf32> to vector<16x1024xf32>
    %add3A_85 = arith.addf %add3A_83, %slice3A_84 : vector<16x1024xf32>
    %slice3A_86 = vector.extract_strided_slice %mul3A_26 {offsets = [0, 31744], sizes = [16, 1024], strides = [1, 1]} : vector<16x51200xf32> to vector<16x1024xf32>
    %add3A_87 = arith.addf %add3A_85, %slice3A_86 : vector<16x1024xf32>
    %slice3A_88 = vector.extract_strided_slice %mul3A_26 {offsets = [0, 32768], sizes = [16, 1024], strides = [1, 1]} : vector<16x51200xf32> to vector<16x1024xf32>
    %add3A_89 = arith.addf %add3A_87, %slice3A_88 : vector<16x1024xf32>
    %slice3A_90 = vector.extract_strided_slice %mul3A_26 {offsets = [0, 33792], sizes = [16, 1024], strides = [1, 1]} : vector<16x51200xf32> to vector<16x1024xf32>
    %add3A_91 = arith.addf %add3A_89, %slice3A_90 : vector<16x1024xf32>
    %slice3A_92 = vector.extract_strided_slice %mul3A_26 {offsets = [0, 34816], sizes = [16, 1024], strides = [1, 1]} : vector<16x51200xf32> to vector<16x1024xf32>
    %add3A_93 = arith.addf %add3A_91, %slice3A_92 : vector<16x1024xf32>
    %slice3A_94 = vector.extract_strided_slice %mul3A_26 {offsets = [0, 35840], sizes = [16, 1024], strides = [1, 1]} : vector<16x51200xf32> to vector<16x1024xf32>
    %add3A_95 = arith.addf %add3A_93, %slice3A_94 : vector<16x1024xf32>
    %slice3A_96 = vector.extract_strided_slice %mul3A_26 {offsets = [0, 36864], sizes = [16, 1024], strides = [1, 1]} : vector<16x51200xf32> to vector<16x1024xf32>
    %add3A_97 = arith.addf %add3A_95, %slice3A_96 : vector<16x1024xf32>
    %slice3A_98 = vector.extract_strided_slice %mul3A_26 {offsets = [0, 37888], sizes = [16, 1024], strides = [1, 1]} : vector<16x51200xf32> to vector<16x1024xf32>
    %add3A_99 = arith.addf %add3A_97, %slice3A_98 : vector<16x1024xf32>
    %slice3A_100 = vector.extract_strided_slice %mul3A_26 {offsets = [0, 38912], sizes = [16, 1024], strides = [1, 1]} : vector<16x51200xf32> to vector<16x1024xf32>
    %add3A_101 = arith.addf %add3A_99, %slice3A_100 : vector<16x1024xf32>
    %slice3A_102 = vector.extract_strided_slice %mul3A_26 {offsets = [0, 39936], sizes = [16, 1024], strides = [1, 1]} : vector<16x51200xf32> to vector<16x1024xf32>
    %add3A_103 = arith.addf %add3A_101, %slice3A_102 : vector<16x1024xf32>
    %slice3A_104 = vector.extract_strided_slice %mul3A_26 {offsets = [0, 40960], sizes = [16, 1024], strides = [1, 1]} : vector<16x51200xf32> to vector<16x1024xf32>
    %add3A_105 = arith.addf %add3A_103, %slice3A_104 : vector<16x1024xf32>
    %slice3A_106 = vector.extract_strided_slice %mul3A_26 {offsets = [0, 41984], sizes = [16, 1024], strides = [1, 1]} : vector<16x51200xf32> to vector<16x1024xf32>
    %add3A_107 = arith.addf %add3A_105, %slice3A_106 : vector<16x1024xf32>
    %slice3A_108 = vector.extract_strided_slice %mul3A_26 {offsets = [0, 43008], sizes = [16, 1024], strides = [1, 1]} : vector<16x51200xf32> to vector<16x1024xf32>
    %add3A_109 = arith.addf %add3A_107, %slice3A_108 : vector<16x1024xf32>
    %slice3A_110 = vector.extract_strided_slice %mul3A_26 {offsets = [0, 44032], sizes = [16, 1024], strides = [1, 1]} : vector<16x51200xf32> to vector<16x1024xf32>
    %add3A_111 = arith.addf %add3A_109, %slice3A_110 : vector<16x1024xf32>
    %slice3A_112 = vector.extract_strided_slice %mul3A_26 {offsets = [0, 45056], sizes = [16, 1024], strides = [1, 1]} : vector<16x51200xf32> to vector<16x1024xf32>
    %add3A_113 = arith.addf %add3A_111, %slice3A_112 : vector<16x1024xf32>
    %slice3A_114 = vector.extract_strided_slice %mul3A_26 {offsets = [0, 46080], sizes = [16, 1024], strides = [1, 1]} : vector<16x51200xf32> to vector<16x1024xf32>
    %add3A_115 = arith.addf %add3A_113, %slice3A_114 : vector<16x1024xf32>
    %slice3A_116 = vector.extract_strided_slice %mul3A_26 {offsets = [0, 47104], sizes = [16, 1024], strides = [1, 1]} : vector<16x51200xf32> to vector<16x1024xf32>
    %add3A_117 = arith.addf %add3A_115, %slice3A_116 : vector<16x1024xf32>
    %slice3A_118 = vector.extract_strided_slice %mul3A_26 {offsets = [0, 48128], sizes = [16, 1024], strides = [1, 1]} : vector<16x51200xf32> to vector<16x1024xf32>
    %add3A_119 = arith.addf %add3A_117, %slice3A_118 : vector<16x1024xf32>
    %slice3A_120 = vector.extract_strided_slice %mul3A_26 {offsets = [0, 49152], sizes = [16, 1024], strides = [1, 1]} : vector<16x51200xf32> to vector<16x1024xf32>
    %add3A_121 = arith.addf %add3A_119, %slice3A_120 : vector<16x1024xf32>
    %slice3A_122 = vector.extract_strided_slice %mul3A_26 {offsets = [0, 50176], sizes = [16, 1024], strides = [1, 1]} : vector<16x51200xf32> to vector<16x1024xf32>
    %add3A_123 = arith.addf %add3A_121, %slice3A_122 : vector<16x1024xf32>
    %mul3A_124 = arith.mulf %mul3A_8, %add3A_123 : vector<16x1024xf32>
    %reduce_sum3A_125 = vector.shape_cast %mul3A_124 : vector<16x1024xf32> to vector<1x16x1024xf32>
    %reduce_sum3A_126 = arith.constant dense<0.000000e+00> : vector<1xf32>
    %reduce_sum3A_127 = vector.multi_reduction <add>, %reduce_sum3A_125, %reduce_sum3A_126 [1, 2] : vector<1x16x1024xf32> to vector<1xf32>
    %reduce_sum3A_128 = vector.shape_cast %reduce_sum3A_127 : vector<1xf32> to vector<1x1x1xf32>
    %reduce_sum3A_129 = vector.extract %reduce_sum3A_128[0, 0, 0] : f32 from vector<1x1x1xf32>
    %get3A_130 = arith.constant 0 : index
    %get3A_131 = arith.constant 0 : index
    %get3A_132 = vector.load %arg2[%get3A_130, %get3A_131] : memref<16x20480xf32, #tpu.memory_space<vmem>>, vector<16x20480xf32>
    %mul3A_133 = arith.mulf %get3A_132, %get3A_132 : vector<16x20480xf32>
    %reduce_sum3A_134 = arith.constant dense<0.000000e+00> : vector<20480xf32>
    %reduce_sum3A_135 = vector.multi_reduction <add>, %mul3A_133, %reduce_sum3A_134 [0] : vector<16x20480xf32> to vector<20480xf32>
    %broadcast_in_dim3A_136 = vector.shape_cast %reduce_sum3A_135 : vector<20480xf32> to vector<1x20480xf32>
    %max3A_137 = arith.constant 1.000000e-24 : f32
    %max3A_138 = vector.broadcast %max3A_137 : f32 to vector<1x20480xf32>
    %max3A_139 = arith.maximumf %broadcast_in_dim3A_136, %max3A_138 : vector<1x20480xf32>
    %rsqrt3A_140 = math.rsqrt %max3A_139 : vector<1x20480xf32>
    %min3A_141 = arith.constant 1.000000e+00 : f32
    %min3A_142 = vector.broadcast %min3A_141 : f32 to vector<1x20480xf32>
    %min3A_143 = arith.minimumf %min3A_142, %rsqrt3A_140 : vector<1x20480xf32>
    %mul3A_144 = vector.broadcast %min3A_143 : vector<1x20480xf32> to vector<16x20480xf32>
    %mul3A_145 = arith.mulf %get3A_132, %mul3A_144 : vector<16x20480xf32>
    %broadcast_in_dim3A_146 = arith.constant 0.000000e+00 : f32
    %broadcast_in_dim3A_147 = vector.broadcast %broadcast_in_dim3A_146 : f32 to vector<1x1024xf32>
    %slice3A_148 = vector.extract_strided_slice %mul3A_145 {offsets = [0, 0], sizes = [16, 1024], strides = [1, 1]} : vector<16x20480xf32> to vector<16x1024xf32>
    %mul3A_149 = arith.mulf %slice3A_148, %mul3A_8 : vector<16x1024xf32>
    %reduce_sum3A_150 = arith.constant dense<0.000000e+00> : vector<1024xf32>
    %reduce_sum3A_151 = vector.multi_reduction <add>, %mul3A_149, %reduce_sum3A_150 [0] : vector<16x1024xf32> to vector<1024xf32>
    %broadcast_in_dim3A_152 = vector.shape_cast %reduce_sum3A_151 : vector<1024xf32> to vector<1x1024xf32>
    %exp3A = math.exp %broadcast_in_dim3A_152 : vector<1x1024xf32>
    %add3A_153 = arith.addf %broadcast_in_dim3A_147, %exp3A : vector<1x1024xf32>
    %slice3A_154 = vector.extract_strided_slice %mul3A_145 {offsets = [0, 1024], sizes = [16, 1024], strides = [1, 1]} : vector<16x20480xf32> to vector<16x1024xf32>
    %mul3A_155 = arith.mulf %slice3A_154, %mul3A_8 : vector<16x1024xf32>
    %reduce_sum3A_156 = arith.constant dense<0.000000e+00> : vector<1024xf32>
    %reduce_sum3A_157 = vector.multi_reduction <add>, %mul3A_155, %reduce_sum3A_156 [0] : vector<16x1024xf32> to vector<1024xf32>
    %broadcast_in_dim3A_158 = vector.shape_cast %reduce_sum3A_157 : vector<1024xf32> to vector<1x1024xf32>
    %exp3A_159 = math.exp %broadcast_in_dim3A_158 : vector<1x1024xf32>
    %add3A_160 = arith.addf %add3A_153, %exp3A_159 : vector<1x1024xf32>
    %slice3A_161 = vector.extract_strided_slice %mul3A_145 {offsets = [0, 2048], sizes = [16, 1024], strides = [1, 1]} : vector<16x20480xf32> to vector<16x1024xf32>
    %mul3A_162 = arith.mulf %slice3A_161, %mul3A_8 : vector<16x1024xf32>
    %reduce_sum3A_163 = arith.constant dense<0.000000e+00> : vector<1024xf32>
    %reduce_sum3A_164 = vector.multi_reduction <add>, %mul3A_162, %reduce_sum3A_163 [0] : vector<16x1024xf32> to vector<1024xf32>
    %broadcast_in_dim3A_165 = vector.shape_cast %reduce_sum3A_164 : vector<1024xf32> to vector<1x1024xf32>
    %exp3A_166 = math.exp %broadcast_in_dim3A_165 : vector<1x1024xf32>
    %add3A_167 = arith.addf %add3A_160, %exp3A_166 : vector<1x1024xf32>
    %slice3A_168 = vector.extract_strided_slice %mul3A_145 {offsets = [0, 3072], sizes = [16, 1024], strides = [1, 1]} : vector<16x20480xf32> to vector<16x1024xf32>
    %mul3A_169 = arith.mulf %slice3A_168, %mul3A_8 : vector<16x1024xf32>
    %reduce_sum3A_170 = arith.constant dense<0.000000e+00> : vector<1024xf32>
    %reduce_sum3A_171 = vector.multi_reduction <add>, %mul3A_169, %reduce_sum3A_170 [0] : vector<16x1024xf32> to vector<1024xf32>
    %broadcast_in_dim3A_172 = vector.shape_cast %reduce_sum3A_171 : vector<1024xf32> to vector<1x1024xf32>
    %exp3A_173 = math.exp %broadcast_in_dim3A_172 : vector<1x1024xf32>
    %add3A_174 = arith.addf %add3A_167, %exp3A_173 : vector<1x1024xf32>
    %slice3A_175 = vector.extract_strided_slice %mul3A_145 {offsets = [0, 4096], sizes = [16, 1024], strides = [1, 1]} : vector<16x20480xf32> to vector<16x1024xf32>
    %mul3A_176 = arith.mulf %slice3A_175, %mul3A_8 : vector<16x1024xf32>
    %reduce_sum3A_177 = arith.constant dense<0.000000e+00> : vector<1024xf32>
    %reduce_sum3A_178 = vector.multi_reduction <add>, %mul3A_176, %reduce_sum3A_177 [0] : vector<16x1024xf32> to vector<1024xf32>
    %broadcast_in_dim3A_179 = vector.shape_cast %reduce_sum3A_178 : vector<1024xf32> to vector<1x1024xf32>
    %exp3A_180 = math.exp %broadcast_in_dim3A_179 : vector<1x1024xf32>
    %add3A_181 = arith.addf %add3A_174, %exp3A_180 : vector<1x1024xf32>
    %slice3A_182 = vector.extract_strided_slice %mul3A_145 {offsets = [0, 5120], sizes = [16, 1024], strides = [1, 1]} : vector<16x20480xf32> to vector<16x1024xf32>
    %mul3A_183 = arith.mulf %slice3A_182, %mul3A_8 : vector<16x1024xf32>
    %reduce_sum3A_184 = arith.constant dense<0.000000e+00> : vector<1024xf32>
    %reduce_sum3A_185 = vector.multi_reduction <add>, %mul3A_183, %reduce_sum3A_184 [0] : vector<16x1024xf32> to vector<1024xf32>
    %broadcast_in_dim3A_186 = vector.shape_cast %reduce_sum3A_185 : vector<1024xf32> to vector<1x1024xf32>
    %exp3A_187 = math.exp %broadcast_in_dim3A_186 : vector<1x1024xf32>
    %add3A_188 = arith.addf %add3A_181, %exp3A_187 : vector<1x1024xf32>
    %slice3A_189 = vector.extract_strided_slice %mul3A_145 {offsets = [0, 6144], sizes = [16, 1024], strides = [1, 1]} : vector<16x20480xf32> to vector<16x1024xf32>
    %mul3A_190 = arith.mulf %slice3A_189, %mul3A_8 : vector<16x1024xf32>
    %reduce_sum3A_191 = arith.constant dense<0.000000e+00> : vector<1024xf32>
    %reduce_sum3A_192 = vector.multi_reduction <add>, %mul3A_190, %reduce_sum3A_191 [0] : vector<16x1024xf32> to vector<1024xf32>
    %broadcast_in_dim3A_193 = vector.shape_cast %reduce_sum3A_192 : vector<1024xf32> to vector<1x1024xf32>
    %exp3A_194 = math.exp %broadcast_in_dim3A_193 : vector<1x1024xf32>
    %add3A_195 = arith.addf %add3A_188, %exp3A_194 : vector<1x1024xf32>
    %slice3A_196 = vector.extract_strided_slice %mul3A_145 {offsets = [0, 7168], sizes = [16, 1024], strides = [1, 1]} : vector<16x20480xf32> to vector<16x1024xf32>
    %mul3A_197 = arith.mulf %slice3A_196, %mul3A_8 : vector<16x1024xf32>
    %reduce_sum3A_198 = arith.constant dense<0.000000e+00> : vector<1024xf32>
    %reduce_sum3A_199 = vector.multi_reduction <add>, %mul3A_197, %reduce_sum3A_198 [0] : vector<16x1024xf32> to vector<1024xf32>
    %broadcast_in_dim3A_200 = vector.shape_cast %reduce_sum3A_199 : vector<1024xf32> to vector<1x1024xf32>
    %exp3A_201 = math.exp %broadcast_in_dim3A_200 : vector<1x1024xf32>
    %add3A_202 = arith.addf %add3A_195, %exp3A_201 : vector<1x1024xf32>
    %slice3A_203 = vector.extract_strided_slice %mul3A_145 {offsets = [0, 8192], sizes = [16, 1024], strides = [1, 1]} : vector<16x20480xf32> to vector<16x1024xf32>
    %mul3A_204 = arith.mulf %slice3A_203, %mul3A_8 : vector<16x1024xf32>
    %reduce_sum3A_205 = arith.constant dense<0.000000e+00> : vector<1024xf32>
    %reduce_sum3A_206 = vector.multi_reduction <add>, %mul3A_204, %reduce_sum3A_205 [0] : vector<16x1024xf32> to vector<1024xf32>
    %broadcast_in_dim3A_207 = vector.shape_cast %reduce_sum3A_206 : vector<1024xf32> to vector<1x1024xf32>
    %exp3A_208 = math.exp %broadcast_in_dim3A_207 : vector<1x1024xf32>
    %add3A_209 = arith.addf %add3A_202, %exp3A_208 : vector<1x1024xf32>
    %slice3A_210 = vector.extract_strided_slice %mul3A_145 {offsets = [0, 9216], sizes = [16, 1024], strides = [1, 1]} : vector<16x20480xf32> to vector<16x1024xf32>
    %mul3A_211 = arith.mulf %slice3A_210, %mul3A_8 : vector<16x1024xf32>
    %reduce_sum3A_212 = arith.constant dense<0.000000e+00> : vector<1024xf32>
    %reduce_sum3A_213 = vector.multi_reduction <add>, %mul3A_211, %reduce_sum3A_212 [0] : vector<16x1024xf32> to vector<1024xf32>
    %broadcast_in_dim3A_214 = vector.shape_cast %reduce_sum3A_213 : vector<1024xf32> to vector<1x1024xf32>
    %exp3A_215 = math.exp %broadcast_in_dim3A_214 : vector<1x1024xf32>
    %add3A_216 = arith.addf %add3A_209, %exp3A_215 : vector<1x1024xf32>
    %slice3A_217 = vector.extract_strided_slice %mul3A_145 {offsets = [0, 10240], sizes = [16, 1024], strides = [1, 1]} : vector<16x20480xf32> to vector<16x1024xf32>
    %mul3A_218 = arith.mulf %slice3A_217, %mul3A_8 : vector<16x1024xf32>
    %reduce_sum3A_219 = arith.constant dense<0.000000e+00> : vector<1024xf32>
    %reduce_sum3A_220 = vector.multi_reduction <add>, %mul3A_218, %reduce_sum3A_219 [0] : vector<16x1024xf32> to vector<1024xf32>
    %broadcast_in_dim3A_221 = vector.shape_cast %reduce_sum3A_220 : vector<1024xf32> to vector<1x1024xf32>
    %exp3A_222 = math.exp %broadcast_in_dim3A_221 : vector<1x1024xf32>
    %add3A_223 = arith.addf %add3A_216, %exp3A_222 : vector<1x1024xf32>
    %slice3A_224 = vector.extract_strided_slice %mul3A_145 {offsets = [0, 11264], sizes = [16, 1024], strides = [1, 1]} : vector<16x20480xf32> to vector<16x1024xf32>
    %mul3A_225 = arith.mulf %slice3A_224, %mul3A_8 : vector<16x1024xf32>
    %reduce_sum3A_226 = arith.constant dense<0.000000e+00> : vector<1024xf32>
    %reduce_sum3A_227 = vector.multi_reduction <add>, %mul3A_225, %reduce_sum3A_226 [0] : vector<16x1024xf32> to vector<1024xf32>
    %broadcast_in_dim3A_228 = vector.shape_cast %reduce_sum3A_227 : vector<1024xf32> to vector<1x1024xf32>
    %exp3A_229 = math.exp %broadcast_in_dim3A_228 : vector<1x1024xf32>
    %add3A_230 = arith.addf %add3A_223, %exp3A_229 : vector<1x1024xf32>
    %slice3A_231 = vector.extract_strided_slice %mul3A_145 {offsets = [0, 12288], sizes = [16, 1024], strides = [1, 1]} : vector<16x20480xf32> to vector<16x1024xf32>
    %mul3A_232 = arith.mulf %slice3A_231, %mul3A_8 : vector<16x1024xf32>
    %reduce_sum3A_233 = arith.constant dense<0.000000e+00> : vector<1024xf32>
    %reduce_sum3A_234 = vector.multi_reduction <add>, %mul3A_232, %reduce_sum3A_233 [0] : vector<16x1024xf32> to vector<1024xf32>
    %broadcast_in_dim3A_235 = vector.shape_cast %reduce_sum3A_234 : vector<1024xf32> to vector<1x1024xf32>
    %exp3A_236 = math.exp %broadcast_in_dim3A_235 : vector<1x1024xf32>
    %add3A_237 = arith.addf %add3A_230, %exp3A_236 : vector<1x1024xf32>
    %slice3A_238 = vector.extract_strided_slice %mul3A_145 {offsets = [0, 13312], sizes = [16, 1024], strides = [1, 1]} : vector<16x20480xf32> to vector<16x1024xf32>
    %mul3A_239 = arith.mulf %slice3A_238, %mul3A_8 : vector<16x1024xf32>
    %reduce_sum3A_240 = arith.constant dense<0.000000e+00> : vector<1024xf32>
    %reduce_sum3A_241 = vector.multi_reduction <add>, %mul3A_239, %reduce_sum3A_240 [0] : vector<16x1024xf32> to vector<1024xf32>
    %broadcast_in_dim3A_242 = vector.shape_cast %reduce_sum3A_241 : vector<1024xf32> to vector<1x1024xf32>
    %exp3A_243 = math.exp %broadcast_in_dim3A_242 : vector<1x1024xf32>
    %add3A_244 = arith.addf %add3A_237, %exp3A_243 : vector<1x1024xf32>
    %slice3A_245 = vector.extract_strided_slice %mul3A_145 {offsets = [0, 14336], sizes = [16, 1024], strides = [1, 1]} : vector<16x20480xf32> to vector<16x1024xf32>
    %mul3A_246 = arith.mulf %slice3A_245, %mul3A_8 : vector<16x1024xf32>
    %reduce_sum3A_247 = arith.constant dense<0.000000e+00> : vector<1024xf32>
    %reduce_sum3A_248 = vector.multi_reduction <add>, %mul3A_246, %reduce_sum3A_247 [0] : vector<16x1024xf32> to vector<1024xf32>
    %broadcast_in_dim3A_249 = vector.shape_cast %reduce_sum3A_248 : vector<1024xf32> to vector<1x1024xf32>
    %exp3A_250 = math.exp %broadcast_in_dim3A_249 : vector<1x1024xf32>
    %add3A_251 = arith.addf %add3A_244, %exp3A_250 : vector<1x1024xf32>
    %slice3A_252 = vector.extract_strided_slice %mul3A_145 {offsets = [0, 15360], sizes = [16, 1024], strides = [1, 1]} : vector<16x20480xf32> to vector<16x1024xf32>
    %mul3A_253 = arith.mulf %slice3A_252, %mul3A_8 : vector<16x1024xf32>
    %reduce_sum3A_254 = arith.constant dense<0.000000e+00> : vector<1024xf32>
    %reduce_sum3A_255 = vector.multi_reduction <add>, %mul3A_253, %reduce_sum3A_254 [0] : vector<16x1024xf32> to vector<1024xf32>
    %broadcast_in_dim3A_256 = vector.shape_cast %reduce_sum3A_255 : vector<1024xf32> to vector<1x1024xf32>
    %exp3A_257 = math.exp %broadcast_in_dim3A_256 : vector<1x1024xf32>
    %add3A_258 = arith.addf %add3A_251, %exp3A_257 : vector<1x1024xf32>
    %slice3A_259 = vector.extract_strided_slice %mul3A_145 {offsets = [0, 16384], sizes = [16, 1024], strides = [1, 1]} : vector<16x20480xf32> to vector<16x1024xf32>
    %mul3A_260 = arith.mulf %slice3A_259, %mul3A_8 : vector<16x1024xf32>
    %reduce_sum3A_261 = arith.constant dense<0.000000e+00> : vector<1024xf32>
    %reduce_sum3A_262 = vector.multi_reduction <add>, %mul3A_260, %reduce_sum3A_261 [0] : vector<16x1024xf32> to vector<1024xf32>
    %broadcast_in_dim3A_263 = vector.shape_cast %reduce_sum3A_262 : vector<1024xf32> to vector<1x1024xf32>
    %exp3A_264 = math.exp %broadcast_in_dim3A_263 : vector<1x1024xf32>
    %add3A_265 = arith.addf %add3A_258, %exp3A_264 : vector<1x1024xf32>
    %slice3A_266 = vector.extract_strided_slice %mul3A_145 {offsets = [0, 17408], sizes = [16, 1024], strides = [1, 1]} : vector<16x20480xf32> to vector<16x1024xf32>
    %mul3A_267 = arith.mulf %slice3A_266, %mul3A_8 : vector<16x1024xf32>
    %reduce_sum3A_268 = arith.constant dense<0.000000e+00> : vector<1024xf32>
    %reduce_sum3A_269 = vector.multi_reduction <add>, %mul3A_267, %reduce_sum3A_268 [0] : vector<16x1024xf32> to vector<1024xf32>
    %broadcast_in_dim3A_270 = vector.shape_cast %reduce_sum3A_269 : vector<1024xf32> to vector<1x1024xf32>
    %exp3A_271 = math.exp %broadcast_in_dim3A_270 : vector<1x1024xf32>
    %add3A_272 = arith.addf %add3A_265, %exp3A_271 : vector<1x1024xf32>
    %slice3A_273 = vector.extract_strided_slice %mul3A_145 {offsets = [0, 18432], sizes = [16, 1024], strides = [1, 1]} : vector<16x20480xf32> to vector<16x1024xf32>
    %mul3A_274 = arith.mulf %slice3A_273, %mul3A_8 : vector<16x1024xf32>
    %reduce_sum3A_275 = arith.constant dense<0.000000e+00> : vector<1024xf32>
    %reduce_sum3A_276 = vector.multi_reduction <add>, %mul3A_274, %reduce_sum3A_275 [0] : vector<16x1024xf32> to vector<1024xf32>
    %broadcast_in_dim3A_277 = vector.shape_cast %reduce_sum3A_276 : vector<1024xf32> to vector<1x1024xf32>
    %exp3A_278 = math.exp %broadcast_in_dim3A_277 : vector<1x1024xf32>
    %add3A_279 = arith.addf %add3A_272, %exp3A_278 : vector<1x1024xf32>
    %slice3A_280 = vector.extract_strided_slice %mul3A_145 {offsets = [0, 19456], sizes = [16, 1024], strides = [1, 1]} : vector<16x20480xf32> to vector<16x1024xf32>
    %mul3A_281 = arith.mulf %slice3A_280, %mul3A_8 : vector<16x1024xf32>
    %reduce_sum3A_282 = arith.constant dense<0.000000e+00> : vector<1024xf32>
    %reduce_sum3A_283 = vector.multi_reduction <add>, %mul3A_281, %reduce_sum3A_282 [0] : vector<16x1024xf32> to vector<1024xf32>
    %broadcast_in_dim3A_284 = vector.shape_cast %reduce_sum3A_283 : vector<1024xf32> to vector<1x1024xf32>
    %exp3A_285 = math.exp %broadcast_in_dim3A_284 : vector<1x1024xf32>
    %add3A_286 = arith.addf %add3A_279, %exp3A_285 : vector<1x1024xf32>
    %log3A = math.log %add3A_286 : vector<1x1024xf32>
    %reduce_sum3A_287 = vector.shape_cast %log3A : vector<1x1024xf32> to vector<1x1x1024xf32>
    %reduce_sum3A_288 = arith.constant dense<0.000000e+00> : vector<1xf32>
    %reduce_sum3A_289 = vector.multi_reduction <add>, %reduce_sum3A_287, %reduce_sum3A_288 [1, 2] : vector<1x1x1024xf32> to vector<1xf32>
    %reduce_sum3A_290 = vector.shape_cast %reduce_sum3A_289 : vector<1xf32> to vector<1x1x1xf32>
    %reduce_sum3A_291 = vector.extract %reduce_sum3A_290[0, 0, 0] : f32 from vector<1x1x1xf32>
    %sub3A = arith.subf %reduce_sum3A_291, %reduce_sum3A_129 : f32
    %swap3A_292 = arith.constant 0 : index
    %swap3A_293 = arith.constant 0 : index
    %swap3A_294 = memref.load %arg4[%swap3A_292, %swap3A_293] : memref<1x1xf32, #tpu.memory_space<smem>>
    memref.store %sub3A, %arg4[%swap3A_292, %swap3A_293] : memref<1x1xf32, #tpu.memory_space<smem>>
    return
  }
}

module attributes {stable_mosaic.version = 14 : i64} {
  func.func @_edge_body(%arg0: i32, %arg1: memref<64x16xf32, #tpu.memory_space<vmem>>, %arg2: memref<16x1024xf32, #tpu.memory_space<vmem>>, %arg3: memref<64x16x1024xf32, #tpu.memory_space<vmem>>) attributes {dimension_semantics = [#tpu.dimension_semantics<arbitrary>], iteration_bounds = array<i64: 16>, scalar_prefetch = 0 : i64, scratch_operands = 0 : i64, tpu.core_type = #tpu.core_type<tc>, window_params = [{transform_indices = @transform_0, window_bounds = array<i64: 64, 16>}, {pipeline_mode = #tpu.pipeline_mode<synchronous>, transform_indices = @transform_1, window_bounds = array<i64: 16, 1024>}, {transform_indices = @transform_2, window_bounds = array<i64: 64, 16, 1024>}]} {
    %get3A = arith.constant 0 : index
    %get3A_0 = arith.constant 0 : index
    %get3A_1 = vector.load %arg1[%get3A, %get3A_0] : memref<64x16xf32, #tpu.memory_space<vmem>>, vector<64x16xf32>
    %broadcast_in_dim3A = vector.shape_cast %get3A_1 : vector<64x16xf32> to vector<64x16x1xf32>
    %get3A_2 = arith.constant 0 : index
    %get3A_3 = arith.constant 0 : index
    %get3A_4 = vector.load %arg2[%get3A_2, %get3A_3] : memref<16x1024xf32, #tpu.memory_space<vmem>>, vector<16x1024xf32>
    %broadcast_in_dim3A_5 = vector.shape_cast %get3A_4 : vector<16x1024xf32> to vector<1x16x1024xf32>
    %mul3A = vector.broadcast %broadcast_in_dim3A : vector<64x16x1xf32> to vector<64x16x1024xf32>
    %mul3A_6 = vector.broadcast %broadcast_in_dim3A_5 : vector<1x16x1024xf32> to vector<64x16x1024xf32>
    %mul3A_7 = arith.mulf %mul3A, %mul3A_6 : vector<64x16x1024xf32>
    %swap3A = arith.constant 0 : index
    %swap3A_8 = arith.constant 0 : index
    %swap3A_9 = arith.constant 0 : index
    %swap3A_10 = vector.load %arg3[%swap3A, %swap3A_8, %swap3A_9] : memref<64x16x1024xf32, #tpu.memory_space<vmem>>, vector<64x16x1024xf32>
    tpu.vector_store %arg3[%swap3A, %swap3A_8, %swap3A_9], %mul3A_7 {strides = array<i32>} : memref<64x16x1024xf32, #tpu.memory_space<vmem>>, vector<64x16x1024xf32>,
    return
  }
  func.func @transform_0(%arg0: i32) -> (i32, i32) {
    %c0_i32 = arith.constant 0 : i32
    %c0_i32_0 = arith.constant 0 : i32
    return %arg0, %c0_i32 : i32, i32
  }
  func.func @transform_1(%arg0: i32) -> (i32, i32) {
    %c0_i32 = arith.constant 0 : i32
    %c0_i32_0 = arith.constant 0 : i32
    %c0_i32_1 = arith.constant 0 : i32
    return %c0_i32, %c0_i32_0 : i32, i32
  }
  func.func @transform_2(%arg0: i32) -> (i32, i32, i32) {
    %c0_i32 = arith.constant 0 : i32
    %c0_i32_0 = arith.constant 0 : i32
    %c0_i32_1 = arith.constant 0 : i32
    return %arg0, %c0_i32, %c0_i32_0 : i32, i32, i32
  }
}

</mosaic_0001>

<sc_bundles>
// kernel: kernel.6.cloned.1.call-start
scs
__scs_entry_jumppad:
0x0: {  	(pc) =	sbr.rel $0x88, $3  }
0x1: {  	(tag) =	ssettag $0x0;
	lr =	simm.s32 $0x1  }
0x2: {  	[smem:$0x3F9D] =	sst lr;
	_ =	strace $0xD0000000  }
0x3: {  	_ = 	snop  }
0x4: {  	_ = 	snop  }
0x5: {  	_ = 	snop  }
0x6: {  	_ = 	snop  }
0x7: {  	_ = 	snop  }
__scs_overlays_trampoline_lowered:
0x8: {  	[smem:$0x3FAC] =	sst s0  }
0x9: {  	[smem:$0x3FAD] =	sst s1  }
0xa: {  	[smem:$0x3FAE] =	sst s2  }
0xb: {  	[smem:$0x3FAF] =	sst s3  }
0xc: {  	[smem:$0x3FB0] =	sst s4  }
0xd: {  	[smem:$0x3FB1] =	sst s5  }
0xe: {  	[smem:$0x3FB2] =	sst s6  }
0xf: {  	[smem:$0x3FB3] =	sst s7  }
0x10: {  	[smem:$0x3FB4] =	sst s8  }
0x11: {  	[smem:$0x3FB5] =	sst s9;
	s0 =	simm.s32 @!p0 $0x0  }
0x12: {  	s1 =	sld [smem:$0x3F9B];
	s0 =	simm.s32 @p0 $0x1  }
0x13: {  	[smem:$0x3FB6] =	sst s0;
	s0 =	simm.s32 @!p1 $0x0  }
0x14: {  	s2 =	sld [smem:$0x3F9A];
	s0 =	simm.s32 @p1 $0x1  }
0x15: {  	[smem:$0x3FB7] =	sst s0;
	s0 =	simm.s32 @!p2 $0x0  }
0x16: {  	s3 =	sld [smem:$0x3FDB];
	s0 =	simm.s32 @p2 $0x1  }
0x17: {  	s4 =	simm.s32 $0x1BF5;
	[smem:$0x3FB9] =	sst s0  }
0x18: {  	s0 =	sld [smem:$0x3F9C];
	_ =	swait.ge [sflag:s4], $0x0  }
0x19: {  	s7 =	sld [smem:$0x3F9D]  }
0x1a: {  	s8 =	sadd.s32 $0xFFFFE003, lr  }
0x1b: {  	s9 =	sadd.s32 $0xFFFFFEF7, lr;
	s5 =	simm.s32 $0xFFFFFFFF;
	p2 =	slt.u32 s8, $0xFFFFF086  }
0x1c: {  	p1 =	slt.u32 s9, $0xF7A;
	s5 =	simm.s32 @!p2 $0x0  }
0x1d: {  	s5 =	simm.s32 @p1 $0x1;
	p0 =	seq.s32 s7, s2  }
0x1e: {  	s7 =	smul.u32 @!p0 $0xF7A, s2;
	p2 =	seq.s32 @!p0 s5, $0x0  }
0x1f: {  	s9 =	smul.u32 $0xF7A, s1;
	s8 =	simm.s32 @!p0 $0x1BF5;
	p2 =	por !p2, p0  }
0x20: {  	[sflag:s8] =	ssyncset.s32 @!p0 $0xFFFFF086;
	s6 =	sadd.s32 @!p0 s3, s7;
	s7 =	simm.s32 @!p0 $0x108  }
0x21: {  	s3 =	sadd.s32 s3, s9;
	s6 =	sadd.s32 @!p0 $0x88, s6;
	s7 =	simm.s32 @p2 $0x1082  }
0x22: {  	[simem:s7], [sflag:s8] =	dma.local @!p0 [hbm:s6], $0xF7A  }
0x23: {  	s9 =	sor.u32 $0xD0000000, s2;
	s6 =	simm.s32 $0x108;
	_ =	swait.ge @!p0 [sflag:s8], $0x0  }
0x24: {  	s3 =	sadd.s32 $0x88, s3;
	s6 =	simm.s32 @!p1 $0x1082;
	[sflag:s4] =	ssyncset.s32 $0xFFFFF086  }
0x25: {  	[simem:s6], [sflag:s4] =	dma.local [hbm:s3], $0xF7A  }
0x26: {  	[smem:$0x3F9D] =	sst s1;
	(tag) =	ssettag s2;
	_ =	strace s9  }
0x27: {  	s1 =	sld [smem:$0x3FAD]  }
0x28: {  	s2 =	sld [smem:$0x3FAE]  }
0x29: {  	s4 =	sld [smem:$0x3FB0]  }
0x2a: {  	p0 =	seq.s32 s5, $0x0;
	s5 =	sld [smem:$0x3FB1]  }
0x2b: {  	s6 =	sld [smem:$0x3FB2]  }
0x2c: {  	s7 =	sld [smem:$0x3FB3]  }
0x2d: {  	s3 =	simm.s32 $0x108;
	s8 =	sld [smem:$0x3FB4]  }
0x2e: {  	s3 =	simm.s32 @!p0 $0x1082;
	s9 =	sld [smem:$0x3FB5]  }
0x2f: {  	lr =	sadd.s32 s0, s3;
	s0 =	sld [smem:$0x3FAC]  }
0x30: {  	s3 =	sld [smem:$0x3FAF]  }
0x31: {  	[smem:$0x3FB8] =	sst s10  }
0x32: {  	s10 =	sld [smem:$0x3FB6];
	_ =	sdelay $0x3  }
0x33: {  	p0 =	seq.s32 s10, $0x1;
	s10 =	sld [smem:$0x3FB8];
	_ =	sdelay $0x3  }
0x34: {  	[smem:$0x3FB8] =	sst s10  }
0x35: {  	s10 =	sld [smem:$0x3FB7];
	_ =	sdelay $0x3  }
0x36: {  	p1 =	seq.s32 s10, $0x1;
	s10 =	sld [smem:$0x3FB8];
	_ =	sdelay $0x3  }
0x37: {  	[smem:$0x3FB8] =	sst s10  }
0x38: {  	s10 =	sld [smem:$0x3FB9]  }
0x39: {  	_ = 	snop;
	(pc) =	sbr.ind lr, $3  }
0x3a: {  	_ = 	snop  }
0x3b: {  	_ = 	snop  }
0x3c: {  	p2 =	seq.s32 s10, $0x1;
	s10 =	sld [smem:$0x3FB8]  }
0x3d: {  	_ =	shalt  }
0x3e: {  	_ =	shalt  }
0x3f: {  	_ =	shalt  }
0x40: {  	_ =	shalt  }
0x41: {  	_ =	shalt  }
0x42: {  	_ =	shalt  }
0x43: {  	_ =	shalt  }
0x44: {  	_ =	shalt  }
0x45: {  	_ =	shalt  }
0x46: {  	_ =	shalt  }
0x47: {  	_ =	shalt  }
0x48: {  	_ =	shalt  }
0x49: {  	_ =	shalt  }
0x4a: {  	_ =	shalt  }
0x4b: {  	_ =	shalt  }
0x4c: {  	_ =	shalt  }
0x4d: {  	_ =	shalt  }
0x4e: {  	_ =	shalt  }
0x4f: {  	_ =	shalt  }
0x50: {  	_ =	shalt  }
0x51: {  	_ =	shalt  }
0x52: {  	_ =	shalt  }
0x53: {  	_ =	shalt  }
0x54: {  	_ =	shalt  }
0x55: {  	_ =	shalt  }
0x56: {  	_ =	shalt  }
0x57: {  	_ =	shalt  }
0x58: {  	_ =	shalt  }
0x59: {  	_ =	shalt  }
0x5a: {  	_ =	shalt  }
0x5b: {  	_ =	shalt  }
0x5c: {  	_ =	shalt  }
0x5d: {  	_ =	shalt  }
0x5e: {  	_ =	shalt  }
0x5f: {  	_ =	shalt  }
0x60: {  	_ =	shalt  }
0x61: {  	_ =	shalt  }
0x62: {  	_ =	shalt  }
0x63: {  	_ =	shalt  }
0x64: {  	_ =	shalt  }
0x65: {  	_ =	shalt  }
0x66: {  	_ =	shalt  }
0x67: {  	_ =	shalt  }
0x68: {  	_ =	shalt  }
0x69: {  	_ =	shalt  }
0x6a: {  	_ =	shalt  }
0x6b: {  	_ =	shalt  }
0x6c: {  	_ =	shalt  }
0x6d: {  	_ =	shalt  }
0x6e: {  	_ =	shalt  }
0x6f: {  	_ =	shalt  }
0x70: {  	_ =	shalt  }
0x71: {  	_ =	shalt  }
0x72: {  	_ =	shalt  }
0x73: {  	_ =	shalt  }
0x74: {  	_ =	shalt  }
0x75: {  	_ =	shalt  }
0x76: {  	_ =	shalt  }
0x77: {  	_ =	shalt  }
0x78: {  	_ =	shalt  }
0x79: {  	_ =	shalt  }
0x7a: {  	_ =	shalt  }
0x7b: {  	_ =	shalt  }
0x7c: {  	_ =	shalt  }
0x7d: {  	_ =	shalt  }
0x7e: {  	_ =	shalt  }
0x7f: {  	_ =	shalt  }
0x80: {  	_ =	shalt  }
0x81: {  	_ =	shalt  }
0x82: {  	_ =	shalt  }
0x83: {  	_ =	shalt  }
0x84: {  	_ =	shalt  }
0x85: {  	_ =	shalt  }
0x86: {  	_ =	shalt  }
0x87: {  	_ =	shalt  }
.Lfunc_end0:
.L_simem_size_0:
called_computation_lowered:
.L_overlay_start_0:
0x88: {  	s2 =	sld [smem:$0x3FD9]  }
0x89: {  	s3 =	sld [smem:$0x3FFE];
	_ =	sdelay $0x1  }
0x8a: {  	s1 =	srdreg.scid  }
0x8b: {  	s0 =	sand.u32 $0x1, s1  }
0x8c: {  	s14 =	sshll.u32 s0, $0xA;
	s2 =	sadd.s32 s3, s2  }
0x8d: {  	s2 =	sadd.s32 s2, s14  }
0x8e: {  	[smem:$0x3FC4] =	sst s2  }
0x8f: {  	_ = 	snop  }
0x90: {  	s2 =	sld [smem:$0x3FD0];
	_ =	sdelay $0x2  }
0x91: {  	s15 =	simm.s32 $0xA;
	s4 =	simm.s32 $0x10  }
0x92: {  	[smem:s4], [sflag:s15] =	dma.local [hbm:s2], $0x1  }
0x93: {  	_ =	swait.eq [sflag:s15], $0x1  }
0x94: {  	[sflag:s15] =	ssyncset.done $0x0  }
0x95: {  	[sflag:s15] =	ssyncadd.s32 $0xFFFFFFFF  }
0x96: {  	s16 =	sld [smem:$0x12];
	(tm) =	ssettm $0x1  }
0x97: {  	s17 =	sld [smem:$0x3FFB];
	_ =	sdelay $0x3  }
0x98: {  	_ =	strace s17  }
0x99: {  	s3 =	sld [smem:$0x3FFC];
	_ =	sdelay $0x3  }
0x9a: {  	_ =	strace s3  }
0x9b: {  	s3 =	sld [smem:$0x3FFD];
	_ =	sdelay $0x3  }
0x9c: {  	_ =	strace s3  }
0x9d: {  	_ =	strace $0x8FFFFFFF  }
0x9e: {  	s18 =	sld [smem:$0x3FDB];
	_ =	sdelay $0x1  }
0x9f: {  	s19 =	simm.s32 $_scs_section_size  }
0xa0: {  	s5 =	simm.s32 $_size__tile_overlayer_lowered;
	s6 =	simm.s32 $_tile_overlayer_lowered  }
0xa1: {  	s22 =	simm.s32 $0x1BFF;
	s21 =	sshll.u32 s6, $0x1;
	s3 =	sadd.s32 s19, s18  }
0xa2: {  	s7 =	simm.s32 $0x0;
	s20 =	sshll.u32 s5, $0x1;
	s5 =	sadd.s32 s21, s3  }
0xa3: {  	[timem:s7], [sflag:s22] =	dma.local [hbm:s5], s20  }
0xa4: {  	_ =	swait.ge [sflag:s22], s20  }
0xa5: {  	s4 =	ssub.s32 $0x0, s20;
	[sflag:s22] =	ssyncset.done $0x0  }
0xa6: {  	[sflag:s22] =	ssyncadd.s32 s4;
	_ =	sdelay $0x1  }
0xa7: {  	s23 =	simm.s32 $0x1B8B  }
0xa8: {  	_ =	swait.ge [sflag:s23], $0x1  }
0xa9: {  	[sflag:s23] =	ssyncset.done $0x0  }
0xaa: {  	s25 =	simm.s32 $0x1B8E;
	s24 =	sld [smem:$0x3FFE];
	[sflag:s23] =	ssyncadd.s32 $0xFFFFFFFF  }
0xab: {  	s26 =	simm.s32 $execute0_lowered;
	[smem:$0x3FD2] =	sst s25  }
0xac: {  	s5 =	sshll.u32 s26, $0x1;
	_ =	strace $0x80000046;
	[dreg:$0x1] =	wrdreg $0xFFFFFFFF  }
0xad: {  	s28 =	simm.s32 $_size_execute0_lowered;
	s3 =	sadd.s32 s3, s5;
	[dreg:$0x0] =	wrdreg $0x0  }
0xae: {  	s5 =	sshll.u32 s28, $0x1;
	[dreg:$0x2] =	wrdreg s3  }
0xaf: {  	[dreg:$0x3] =	wrdreg s5  }
0xb0: {  	[dreg:$0x4] =	wrdreg $0xC0  }
0xb1: {  	_ =	task [dreg:s7], $0x5FFFF  }
0xb2: {  	[dreg:$0x1] =	wrdreg $0xFFFFFFFF  }
0xb3: {  	[dreg:$0x0] =	wrdreg $0x60  }
0xb4: {  	[dreg:$0x2] =	wrdreg s16  }
0xb5: {  	[dreg:$0x3] =	wrdreg s24  }
0xb6: {  	[dreg:$0x4] =	wrdreg $0x9  }
0xb7: {  	_ =	task.clear_ibuf [dreg:s7], $0x5FFFF;
	_ =	strace $0x90000046  }
0xb8: {  	s29 =	simm.s32 $0x9;
	_ =	strace $0x80000048  }
0xb9: {  	_ =	swait.ge [sflag:s29], $0x1  }
0xba: {  	[sflag:s29] =	ssyncadd.s32 $0xFFFFFFFF  }
0xbb: {  	_ =	strace $0x90000048  }
0xbc: {  	_ =	sfence  }
0xbd: {  	s30 =	sld [smem:$0x0];
	_ =	sdelay $0x2  }
0xbe: {  	s31 =	sshll.u32 s1, $0xD;
	s1 =	sshrl.u32 s1, $0x2  }
0xbf: {  	s3 =	sand.u32 $0x4000, s31;
	s1 =	sadd.s32 s1, s30  }
0xc0: {  	s0 =	sor.u32 s3, s0;
	s1 =	sshll.u32 s1, $0x11  }
0xc1: {  	s0 =	sor.u32 s1, s0  }
0xc2: {  	s0 =	sadd.s32 $0x8F2B, s0  }
0xc3: {  	[sflag:s0] =	ssyncadd.remote.s32 $0x1  }
0xc4: {  	_ =	sfence.sel $0xFFFF  }
0xc5: {  	[dreg:$0x0] =	wrdreg $0xFFFFFFFF;
	(pc) =	sbr.abs _section_cstart, $3  }
0xc6: {  	[dreg:$0x1] =	wrdreg $0xFFFFFFFF  }
0xc7: {  	_ =	task.clear_ibuf [dreg:s7], $0x2FFFF;
	_ =	strace $0x9FFFFFFF  }
0xc8: {  	(tm) =	ssettm $0x7FFFFFFF  }
0xc9: {  	_ =	shalt  }
tec
execute0_lowered:
.L_overlay_start_1:
0x0: {  	(tag) =	ssettag $0x1  }
0x1: {  	s1 =	srdreg.scid;
	s0 =	stileid.u32  }
0x2: {  	s14 =	sand.u32 $0x1, s1;
	s30 =	sshll.u32 s0, $0x1  }
0x3: {  	s2 =	rddreg [dreg:$0x0];
	s1 =	sor.u32 s14, s30  }
0x4: {  	s4 =	rddreg [dreg:$0x1];
	s3 =	simm.s32 $0x0;
	s5 =	smul.u32 $0x1200, s1  }
0x5: {  	[smem:$0x7FF] =	sst s3  }
0x6: {  	s1 =	rddreg [dreg:$0x2];
	s15 =	sadd.s32 s5, s4  }
0x7: {  	_ =	strace $0x80000047;
	s4 =	simm.s32 $0x2;
	s5 =	sadd.s32 $0xC00, s15  }
0x8: {  	[tilespmem:s3], [sflag:$0x2] =	stream.linear.gather [hbm4b:s5+s3], $0x9000, $0x38;
	[tilespmem:$0x12000] =	vst v63  }
0x9: {  	_ =	swait.ge [sflag:s4], $0x9000  }
0xa: {  	[sflag:s4] =	ssyncset.done $0x0  }
0xb: {  	s6 =	simm.s32 $0x2400;
	s7 =	simm.s32 $0x9000;
	[sflag:s4] =	ssyncadd.s32 $0xFFFF7000  }
0xc: {  	[tilespmem:s7], [sflag:$0x1] =	stream.indirect.gather [hbm4b:s2+s6], $0x1, s3, s6, $0xb8;
	[tilespmem:$0x12000] =	vst v63  }
0xd: {  	s8 =	simm.s32 $0xB400  }
0xe: {  	[tilespmem:s8], [sflag:$0x1] =	stream.indirect.gather [hbm4b:s2+s6], $0x1, s6, s6, $0xb8;
	[tilespmem:$0x12000] =	vst v63  }
0xf: {  	s9 =	simm.s32 $0x4800;
	s10 =	simm.s32 $0xD800  }
0x10: {  	[tilespmem:s10], [sflag:$0x1] =	stream.indirect.gather [hbm4b:s2+s6], $0x1, s9, s6, $0xb8;
	[tilespmem:$0x12000] =	vst v63  }
0x11: {  	s11 =	simm.s32 $0x6C00;
	s12 =	simm.s32 $0xFC00;
	s13 =	simm.s32 $0x1  }
0x12: {  	[tilespmem:s12], [sflag:$0x1] =	stream.indirect.gather [hbm4b:s2+s6], $0x1, s11, s6, $0xb8;
	[tilespmem:$0x12000] =	vst v63  }
0x13: {  	_ =	swait.ge [sflag:s13], $0x2400  }
0x14: {  	[sflag:s13] =	ssyncset.done $0x0  }
0x15: {  	[sflag:s13] =	ssyncadd.s32 $0xFFFFDC00  }
0x16: {  	_ =	swait.ge [sflag:s13], $0x2400  }
0x17: {  	[sflag:s13] =	ssyncset.done $0x0  }
0x18: {  	s14 =	ssub.s32 $0x2, s14;
	[sflag:s13] =	ssyncadd.s32 $0xFFFFDC00  }
0x19: {  	s16 =	sshrl.u32 s14, $0x1;
	_ =	swait.ge [sflag:s13], $0x2400  }
0x1a: {  	s16 =	ssub.s32 s14, s16;
	[sflag:s13] =	ssyncset.done $0x0  }
0x1b: {  	s31 =	smax.u32 s16, $0x1;
	[sflag:s13] =	ssyncadd.s32 $0xFFFFDC00  }
0x1c: {  	p0 =	sne.s32 s31, $0x1;
	_ =	swait.ge [sflag:s13], $0x2400  }
.Ltmp0:
0x1d: {  	[sflag:s13] =	ssyncset.done $0x0;
	(pc) =	sbr.rel @!p0 .LBB2_2-.Ltmp0, $4  }
0x1e: {  	s14 =	sadd.s32 $0x24C00, s15;
	[sflag:s13] =	ssyncadd.s32 $0xFFFFDC00  }
0x1f: {  	[hbm4b:s14+s3] =	stream.linear.scatter [tilespmem:s7], [sflag:$0x2], $0x9000, $0x38;
	[tilespmem:$0x12000] =	vst v63  }
0x20: {  	_ =	swait.ge [sflag:s4], $0x9000  }
0x21: {  	s15 =	sadd.s32 $0xFFFFFFFF, s31;
	[sflag:s4] =	ssyncset.done $0x0  }
.LBB2_1:
0x22: {  	p0 =	sne.s32 s15, $0x1;
	s15 =	sadd.s32 $0xFFFFFFFF, s15;
	[sflag:s4] =	ssyncadd.s32 $0xFFFF7000  }
0x23: {  	[tilespmem:s3], [sflag:$0x2] =	stream.linear.gather [hbm4b:s5+s3], $0x9000, $0x38;
	[tilespmem:$0x12000] =	vst v63  }
0x24: {  	_ =	swait.ge [sflag:s4], $0x9000  }
0x25: {  	[sflag:s4] =	ssyncset.done $0x0  }
0x26: {  	[sflag:s4] =	ssyncadd.s32 $0xFFFF7000  }
0x27: {  	[tilespmem:s7], [sflag:$0x1] =	stream.indirect.gather [hbm4b:s2+s6], $0x1, s3, s6, $0xb8;
	[tilespmem:$0x12000] =	vst v63  }
0x28: {  	_ = 	snop  }
0x29: {  	[tilespmem:s8], [sflag:$0x1] =	stream.indirect.gather [hbm4b:s2+s6], $0x1, s6, s6, $0xb8;
	[tilespmem:$0x12000] =	vst v63  }
0x2a: {  	_ = 	snop  }
0x2b: {  	[tilespmem:s10], [sflag:$0x1] =	stream.indirect.gather [hbm4b:s2+s6], $0x1, s9, s6, $0xb8;
	[tilespmem:$0x12000] =	vst v63  }
0x2c: {  	_ = 	snop  }
0x2d: {  	[tilespmem:s12], [sflag:$0x1] =	stream.indirect.gather [hbm4b:s2+s6], $0x1, s11, s6, $0xb8;
	[tilespmem:$0x12000] =	vst v63  }
0x2e: {  	_ =	swait.ge [sflag:s13], $0x2400  }
0x2f: {  	[sflag:s13] =	ssyncset.done $0x0  }
0x30: {  	[sflag:s13] =	ssyncadd.s32 $0xFFFFDC00  }
0x31: {  	_ =	swait.ge [sflag:s13], $0x2400  }
0x32: {  	[sflag:s13] =	ssyncset.done $0x0  }
0x33: {  	[sflag:s13] =	ssyncadd.s32 $0xFFFFDC00  }
0x34: {  	_ =	swait.ge [sflag:s13], $0x2400  }
0x35: {  	[sflag:s13] =	ssyncset.done $0x0  }
0x36: {  	[sflag:s13] =	ssyncadd.s32 $0xFFFFDC00  }
0x37: {  	_ =	swait.ge [sflag:s13], $0x2400  }
.Ltmp1:
0x38: {  	[sflag:s13] =	ssyncset.done $0x0;
	(pc) =	sbr.rel @p0 .LBB2_1-.Ltmp1, $4  }
0x39: {  	[sflag:s13] =	ssyncadd.s32 $0xFFFFDC00  }
0x3a: {  	[hbm4b:s14+s3] =	stream.linear.scatter [tilespmem:s7], [sflag:$0x2], $0x9000, $0x38;
	[tilespmem:$0x12000] =	vst v63  }
0x3b: {  	_ =	swait.ge [sflag:s4], $0x9000  }
0x3c: {  	[sflag:s4] =	ssyncset.done $0x0  }
.LBB2_2:
0x3d: {  	[sflag:s4] =	ssyncadd.s32 $0xFFFF7000  }
0x3e: {  	_ =	sfence.sel $0x180000  }
0x3f: {  	[bflag:$0x0] =	sbarrier.arrive $0xFFFF  }
0x40: {  	p0 =	sne.s32 s0, $0x0;
	_ =	strace $0x90000047  }
0x41: {  	s0 =	sadd.s32 @!p0 $0x100000, s1;
	[bflag:$0x2] =	sbarrier.arrive $0xFFFF  }
0x42: {  	[sflag:s0] =	ssyncadd.tile.s32 @!p0 $0x1;
	_ =	shalt  }
.Lfunc_end2:
_tile_overlayer_lowered:
.L_overlay_start_2:
0x43: {  	(tag) =	ssettag $0x2  }
0x44: {  	s0 =	rddreg [dreg:$0x0];
	s2 =	stileid.u32  }
0x45: {  	s1 =	rddreg [dreg:$0x1];
	p0 =	sne.s32 s2, $0x0  }
0x46: {  	s3 =	rddreg [dreg:$0x2];
	[bflag:$0x3] =	sbarrier.arrive $0xFFFF;
	s2 =	simm.s32 @!p0 $0x1C02  }
0x47: {  	[timem:s3], [sflag:s2] =	dma.local @!p0 [hbm:s0], s1  }
0x48: {  	s0 =	simm.s32 @!p0 $0x2  }
0x49: {  	_ =	swait.ge @!p0 [sflag:s0], s1  }
0x4a: {  	s1 =	ssub.s32 @!p0 $0x0, s1;
	[sflag:s0] =	ssyncset.done @!p0 $0x0  }
0x4b: {  	[sflag:s0] =	ssyncadd.s32 @!p0 s1  }
0x4c: {  	[bflag:$0x3] =	sbarrier.arrive $0xFFFF  }
0x4d: {  	_ =	shalt  }

</sc_bundles>
